<compile_context>
chip_gen: v7x
topology: tpu7x:2x2x1
jax: 0.10.2.dev20260603
libtpu: 0.0.44.dev20260713+nightly
codegen_flags: <defaults>
</compile_context>

<pallas_src>
import functools

import jax
import jax.numpy as jnp
from jax import lax
from jax.experimental import pallas as pl
from jax.experimental.pallas import tpu as pltpu
from jax.experimental.pallas import tpu_sc as plsc

N = 10000
E = 320000
D = 128
H = 128
C = 40

NC = 2
NS = 16
NW = NC * NS
K = 128
CPP = 32
NPH0 = 2
NPH1 = 3
EPP = CPP * K
E0 = NS * NPH0 * EPP
E1 = NS * NPH1 * EPP
E_PAD = E0 + E1
NBUF = 2
NP = N + 8
ROWS_PT = 624
TAIL_OFF = ROWS_PT * NS
TAIL_IN = NP - TAIL_OFF
TAIL_OUT = N - TAIL_OFF


@functools.cache
def _get_agg_kernel():
    sc_mesh = plsc.VectorSubcoreMesh(
        core_axis_name="c", subcore_axis_name="s", num_cores=NC, num_subcores=NS
    )
    return pl.kernel(
        _agg_body,
        out_type=jax.ShapeDtypeStruct((NC, N, D), jnp.float32),
        mesh=sc_mesh,
        scratch_types=[
            pltpu.VMEM_SHARED((NP, D), jnp.float32),
            pltpu.VMEM((CPP, K), jnp.int32),
            pltpu.VMEM((CPP, K), jnp.int32),
            pltpu.VMEM((K, D), jnp.float32),
            pltpu.VMEM((K, D), jnp.float32),
            pltpu.SemaphoreType.DMA,
            pltpu.SemaphoreType.DMA,
        ],
    )


def _agg_body(x_hbm, src0_hbm, dst0_hbm, src1_hbm, dst1_hbm, out_hbm,
              acc, idx_s, idx_d, rb0, rb1, sem0, sem1):
    c = lax.axis_index("c")
    s = lax.axis_index("s")
    rows = (rb0, rb1)
    sems = (sem0, sem1)

    pltpu.sync_copy(
        x_hbm.at[pl.ds(s * ROWS_PT, ROWS_PT)],
        acc.at[pl.ds(s * ROWS_PT, ROWS_PT)],
    )

    @pl.when(s == 0)
    def _init_tail():
        pltpu.sync_copy(
            x_hbm.at[pl.ds(TAIL_OFF, TAIL_IN)], acc.at[pl.ds(TAIL_OFF, TAIL_IN)]
        )

    plsc.subcore_barrier()

    def start(b, j):
        pltpu.async_copy(x_hbm.at[idx_s.at[j]], rows[b], sems[b])

    def finish(b, j):
        pltpu.make_async_copy(x_hbm.at[idx_s.at[j]], rows[b], sems[b]).wait()
        pltpu.sync_copy(rows[b], acc.at[idx_d.at[j]], add=True)

    def run_core(src_hbm, dst_hbm, nph):
        @pl.loop(0, nph)
        def _phase(p):
            pltpu.sync_copy(src_hbm.at[s, p], idx_s)
            pltpu.sync_copy(dst_hbm.at[s, p], idx_d)

            for b in range(NBUF):
                start(b, b)

            @pl.loop(0, CPP - NBUF, step=NBUF)
            def _steady(g):
                for b in range(NBUF):
                    finish(b, g + b)
                    start(b, g + b + NBUF)

            for b in range(NBUF):
                finish(b, CPP - NBUF + b)

    @pl.when(c == 0)
    def _core0():
        run_core(src0_hbm, dst0_hbm, NPH0)

    @pl.when(c == 1)
    def _core1():
        run_core(src1_hbm, dst1_hbm, NPH1)

    plsc.subcore_barrier()
    pltpu.sync_copy(
        acc.at[pl.ds(s * ROWS_PT, ROWS_PT)],
        out_hbm.at[c, pl.ds(s * ROWS_PT, ROWS_PT)],
    )

    @pl.when(s == 0)
    def _write_tail():
        pltpu.sync_copy(
            acc.at[pl.ds(TAIL_OFF, TAIL_OUT)],
            out_hbm.at[c, pl.ds(TAIL_OFF, TAIL_OUT)],
        )


def _mlp_body(x_ref, agg_ref, w1_ref, b1_ref, g_ref, be_ref, w2_ref, b2_ref,
              w3_ref, b3_ref, out_ref):
    h0 = agg_ref[0] + agg_ref[1] - x_ref[...]
    h = jnp.dot(h0, w1_ref[...], preferred_element_type=jnp.float32) + b1_ref[...]
    mean = jnp.mean(h, axis=0, keepdims=True)
    var = jnp.mean(jnp.square(h - mean), axis=0, keepdims=True)
    h = (h - mean) / jnp.sqrt(var + 1e-5) * g_ref[...] + be_ref[...]
    h = jnp.maximum(h, 0.0)
    h = jnp.dot(h, w2_ref[...], preferred_element_type=jnp.float32) + b2_ref[...]
    h = jnp.maximum(h, 0.0)
    out_ref[...] = jnp.dot(h, w3_ref[...], preferred_element_type=jnp.float32) + b3_ref[...]


_mlp_call = pl.pallas_call(
    _mlp_body,
    out_shape=jax.ShapeDtypeStruct((N, 128), jnp.float32),
)


def kernel(x, edge_index, W1, b1, gamma, beta, W2, b2, W3, b3):
    ei = edge_index.astype(jnp.int32)
    pad = jnp.full((E_PAD - E,), N, jnp.int32)
    src = jnp.concatenate([ei[0], pad])
    dst = jnp.concatenate([ei[1], pad])
    src0 = src[:E0].reshape(NS, NPH0, CPP, K)
    dst0 = dst[:E0].reshape(NS, NPH0, CPP, K)
    src1 = src[E0:].reshape(NS, NPH1, CPP, K)
    dst1 = dst[E0:].reshape(NS, NPH1, CPP, K)
    x_pad = jnp.concatenate([x, jnp.zeros((NP - N, D), x.dtype)])
    partials = _get_agg_kernel()(x_pad, src0, dst0, src1, dst1)
    w3p = jnp.zeros((H, 128), W3.dtype).at[:, :C].set(W3)
    b3p = jnp.zeros((128,), b3.dtype).at[:C].set(b3)
    out = _mlp_call(
        x, partials, W1,
        b1.reshape(1, H), gamma.reshape(1, H), beta.reshape(1, H),
        W2, b2.reshape(1, H), w3p, b3p.reshape(1, 128),
    )
    return out[:, :C]

# --- scband reference (transcript-rebuilt; emitter-appended) ---
"""Pipeline reference for scband-gcn-gin-42348377538854 (READ-ONLY COPY).

The authoritative reference and input builder live on the scoring server;
editing this copy changes nothing except your own understanding.
"""

import jax, jax.numpy as jnp
import numpy as np

N = 10000
E = 320000
D = 128
H = 128
C = 40

def setup_inputs(seed: int = 0) -> dict:
    key = jax.random.key(seed)
    ks = jax.random.split(key, 10)
    x = jax.random.normal(ks[0], (N, D), dtype=jnp.float32)
    edge_index = jax.random.randint(ks[1], (2, E), 0, N, dtype=jnp.int64)
    W1 = jax.random.normal(ks[2], (D, H), dtype=jnp.float32) * (1.0 / np.sqrt(D))
    b1 = jnp.zeros((H,), dtype=jnp.float32)
    gamma = jnp.ones((H,), dtype=jnp.float32)
    beta = jnp.zeros((H,), dtype=jnp.float32)
    W2 = jax.random.normal(ks[3], (H, H), dtype=jnp.float32) * (1.0 / np.sqrt(H))
    b2 = jnp.zeros((H,), dtype=jnp.float32)
    W3 = jax.random.normal(ks[4], (H, C), dtype=jnp.float32) * (1.0 / np.sqrt(H))
    b3 = jnp.zeros((C,), dtype=jnp.float32)
    return {"x": x, "edge_index": edge_index, "W1": W1, "b1": b1, "gamma": gamma, "beta": beta, "W2": W2, "b2": b2, "W3": W3, "b3": b3}

def reference(x, edge_index, W1, b1, gamma, beta, W2, b2, W3, b3):
    src = edge_index[0]
    dst = edge_index[1]
    # GIN aggregation: sum of neighbor features, scatter-add at destination nodes
    agg = jnp.zeros_like(x).at[dst].add(x[src])
    # (1 + eps) * x + aggregate, with default eps = 0
    h = x + agg
    # MLP: Linear -> BatchNorm1d (training-mode batch stats) -> ReLU -> Linear -> ReLU
    h = h @ W1 + b1
    mean = jnp.mean(h, axis=0)
    var = jnp.var(h, axis=0)
    h = (h - mean) / jnp.sqrt(var + 1e-5) * gamma + beta
    h = jax.nn.relu(h)
    h = h @ W2 + b2
    h = jax.nn.relu(h)
    # outer x.relu()
    h = jax.nn.relu(h)
    # final classifier Linear(dim_h, num_classes)
    out = h @ W3 + b3
    return out

if __name__ == "__main__":
    import jax
    _d = setup_inputs()
    print(jax.jit(kernel)(*tuple(_d.values())))

</pallas_src>

<mosaic_0001>
#map = affine_map<(d0, d1) -> (0, 0)>
#map1 = affine_map<(d0, d1) -> (0, 0, 0, 0)>
#map2 = affine_map<(d0, d1) -> (0, 0, 0)>
module attributes {stable_mosaic.version = 14 : i64} {
  func.func @_agg_body(%arg0: i32, %arg1: i32, %arg2: memref<10008x128xf32, #tpu.memory_space<hbm>>, %arg3: memref<16x2x32x128xi32, #tpu.memory_space<hbm>>, %arg4: memref<16x2x32x128xi32, #tpu.memory_space<hbm>>, %arg5: memref<16x3x32x128xi32, #tpu.memory_space<hbm>>, %arg6: memref<16x3x32x128xi32, #tpu.memory_space<hbm>>, %arg7: memref<2x10000x128xf32, #tpu.memory_space<hbm>>, %arg8: memref<10008x128xf32, #tpu.memory_space<vmem_shared>>, %arg9: memref<32x128xi32, #tpu.memory_space<vmem>>, %arg10: memref<32x128xi32, #tpu.memory_space<vmem>>, %arg11: memref<128x128xf32, #tpu.memory_space<vmem>>, %arg12: memref<128x128xf32, #tpu.memory_space<vmem>>, %arg13: memref<!tpu.dma_semaphore, #tpu.memory_space<semaphore_mem>>, %arg14: memref<!tpu.dma_semaphore, #tpu.memory_space<semaphore_mem>>) attributes {dimension_semantics = [#tpu.dimension_semantics<core_parallel>, #tpu.dimension_semantics<subcore_parallel>], iteration_bounds = array<i64: 2, 16>, scalar_prefetch = 0 : i64, scratch_operands = 7 : i64, tpu.core_type = #tpu.core_type<sc_vector_subcore>, window_params = [{transform_indices = #map}, {transform_indices = #map1}, {transform_indices = #map1}, {transform_indices = #map1}, {transform_indices = #map1}, {transform_indices = #map2}]} {
    %mul3A = arith.constant 624 : i32
    %mul3A_0 = arith.muli %arg1, %mul3A : i32
    %mul3A_1 = arith.constant 624 : i32
    %mul3A_2 = arith.muli %arg1, %mul3A_1 : i32
    "tpu.region"() ({
      %run_scoped3A = tpu.sem_alloc : memref<!tpu.dma_semaphore, #tpu.memory_space<semaphore_mem>>
      %dma_start3A = arith.constant 0 : i32
      %dma_start3A_25 = tpu.memref_slice %arg8[%mul3A_2, %dma_start3A] : memref<10008x128xf32, #tpu.memory_space<vmem_shared>> -> memref<624x128xf32, #tpu.memory_space<vmem_shared>>
      %dma_start3A_26 = arith.constant 0 : i32
      %dma_start3A_27 = tpu.memref_slice %arg2[%mul3A_0, %dma_start3A_26] : memref<10008x128xf32, #tpu.memory_space<hbm>> -> memref<624x128xf32, #tpu.memory_space<hbm>>
      tpu.enqueue_dma source(%dma_start3A_27 : memref<624x128xf32, #tpu.memory_space<hbm>>) target(%dma_start3A_25 : memref<624x128xf32, #tpu.memory_space<vmem_shared>>) target_semaphore(%run_scoped3A : memref<!tpu.dma_semaphore, #tpu.memory_space<semaphore_mem>>)
      %dma_wait3A = arith.constant 0 : i32
      %dma_wait3A_28 = tpu.memref_slice %arg8[%mul3A_2, %dma_wait3A] : memref<10008x128xf32, #tpu.memory_space<vmem_shared>> -> memref<624x128xf32, #tpu.memory_space<vmem_shared>>
      %dma_wait3A_29 = arith.constant 0 : i32
      %dma_wait3A_30 = tpu.memref_slice %arg2[%mul3A_0, %dma_wait3A_29] : memref<10008x128xf32, #tpu.memory_space<hbm>> -> memref<624x128xf32, #tpu.memory_space<hbm>>
      tpu.wait_dma2 semaphore(%run_scoped3A : memref<!tpu.dma_semaphore, #tpu.memory_space<semaphore_mem>>) src(%dma_wait3A_30 : memref<624x128xf32, #tpu.memory_space<hbm>>) dst(%dma_wait3A_28 : memref<624x128xf32, #tpu.memory_space<vmem_shared>>)
      tpu.yield
    }) : () -> ()
    %eq3A = arith.constant 0 : i32
    %eq3A_3 = arith.cmpi eq, %arg1, %eq3A : i32
    %convert_element_type3A = arith.extui %eq3A_3 : i1 to i32
    %cond3A = arith.constant 0 : i32
    %cond3A_4 = arith.cmpi ne, %convert_element_type3A, %cond3A : i32
    scf.if %cond3A_4 {
      "tpu.region"() ({
        %run_scoped3A = tpu.sem_alloc : memref<!tpu.dma_semaphore, #tpu.memory_space<semaphore_mem>>
        %dma_start3A = arith.constant 9984 : i32
        %dma_start3A_25 = arith.constant 0 : i32
        %dma_start3A_26 = tpu.memref_slice %arg8[%dma_start3A, %dma_start3A_25] : memref<10008x128xf32, #tpu.memory_space<vmem_shared>> -> memref<24x128xf32, #tpu.memory_space<vmem_shared>>
        %dma_start3A_27 = arith.constant 9984 : i32
        %dma_start3A_28 = arith.constant 0 : i32
        %dma_start3A_29 = tpu.memref_slice %arg2[%dma_start3A_27, %dma_start3A_28] : memref<10008x128xf32, #tpu.memory_space<hbm>> -> memref<24x128xf32, #tpu.memory_space<hbm>>
        tpu.enqueue_dma source(%dma_start3A_29 : memref<24x128xf32, #tpu.memory_space<hbm>>) target(%dma_start3A_26 : memref<24x128xf32, #tpu.memory_space<vmem_shared>>) target_semaphore(%run_scoped3A : memref<!tpu.dma_semaphore, #tpu.memory_space<semaphore_mem>>)
        %dma_wait3A = arith.constant 9984 : i32
        %dma_wait3A_30 = arith.constant 0 : i32
        %dma_wait3A_31 = tpu.memref_slice %arg8[%dma_wait3A, %dma_wait3A_30] : memref<10008x128xf32, #tpu.memory_space<vmem_shared>> -> memref<24x128xf32, #tpu.memory_space<vmem_shared>>
        %dma_wait3A_32 = arith.constant 9984 : i32
        %dma_wait3A_33 = arith.constant 0 : i32
        %dma_wait3A_34 = tpu.memref_slice %arg2[%dma_wait3A_32, %dma_wait3A_33] : memref<10008x128xf32, #tpu.memory_space<hbm>> -> memref<24x128xf32, #tpu.memory_space<hbm>>
        tpu.wait_dma2 semaphore(%run_scoped3A : memref<!tpu.dma_semaphore, #tpu.memory_space<semaphore_mem>>) src(%dma_wait3A_34 : memref<24x128xf32, #tpu.memory_space<hbm>>) dst(%dma_wait3A_31 : memref<24x128xf32, #tpu.memory_space<vmem_shared>>)
        tpu.yield
      }) : () -> ()
    } else {
    }
    %barrier3A = arith.constant 0 : index
    tpu.barrier barrier_id(%barrier3A)
    %eq3A_5 = arith.constant 0 : i32
    %eq3A_6 = arith.cmpi eq, %arg0, %eq3A_5 : i32
    %convert_element_type3A_7 = arith.extui %eq3A_6 : i1 to i32
    %cond3A_8 = arith.constant 0 : i32
    %cond3A_9 = arith.cmpi ne, %convert_element_type3A_7, %cond3A_8 : i32
    scf.if %cond3A_9 {
      %scan3A = arith.constant 0 : i32
      %scan3A_25 = arith.constant 2 : i32
      %scan3A_26 = arith.addi %scan3A, %scan3A_25 : i32
      %scan3A_27 = arith.constant 1 : i32
      scf.for %scan3A_29 = %scan3A to %scan3A_26 step %scan3A_27  : i32 {
        %mul3A_30 = arith.constant 1 : i32
        %mul3A_31 = arith.muli %scan3A_29, %mul3A_30 : i32
        %add3A = arith.constant 0 : i32
        %add3A_32 = arith.addi %add3A, %mul3A_31 : i32
        "tpu.region"() ({
          %run_scoped3A_65 = tpu.sem_alloc : memref<!tpu.dma_semaphore, #tpu.memory_space<semaphore_mem>>
          %dma_start3A_66 = arith.constant 0 : i32
          %dma_start3A_67 = arith.constant 0 : i32
          %dma_start3A_68 = tpu.memref_slice %arg3[%arg1, %add3A_32, %dma_start3A_66, %dma_start3A_67] : memref<16x2x32x128xi32, #tpu.memory_space<hbm>> -> memref<1x1x32x128xi32, #tpu.memory_space<hbm>>
          %dma_start3A_69 = tpu.memref_squeeze %dma_start3A_68 : memref<1x1x32x128xi32, #tpu.memory_space<hbm>> -> memref<32x128xi32, #tpu.memory_space<hbm>>
          %dma_start3A_70 = arith.constant 0 : i32
          %dma_start3A_71 = arith.constant 0 : i32
          %dma_start3A_72 = tpu.memref_slice %arg3[%arg1, %add3A_32, %dma_start3A_70, %dma_start3A_71] : memref<16x2x32x128xi32, #tpu.memory_space<hbm>> -> memref<1x1x32x128xi32, #tpu.memory_space<hbm>>
          %dma_start3A_73 = tpu.memref_squeeze %dma_start3A_72 : memref<1x1x32x128xi32, #tpu.memory_space<hbm>> -> memref<32x128xi32, #tpu.memory_space<hbm>>
          tpu.enqueue_dma source(%dma_start3A_73 : memref<32x128xi32, #tpu.memory_space<hbm>>) target(%arg9 : memref<32x128xi32, #tpu.memory_space<vmem>>) target_semaphore(%run_scoped3A_65 : memref<!tpu.dma_semaphore, #tpu.memory_space<semaphore_mem>>)
          %dma_wait3A_74 = arith.constant 0 : i32
          %dma_wait3A_75 = arith.constant 0 : i32
          %dma_wait3A_76 = tpu.memref_slice %arg3[%arg1, %add3A_32, %dma_wait3A_74, %dma_wait3A_75] : memref<16x2x32x128xi32, #tpu.memory_space<hbm>> -> memref<1x1x32x128xi32, #tpu.memory_space<hbm>>
          %dma_wait3A_77 = tpu.memref_squeeze %dma_wait3A_76 : memref<1x1x32x128xi32, #tpu.memory_space<hbm>> -> memref<32x128xi32, #tpu.memory_space<hbm>>
          %dma_wait3A_78 = arith.constant 0 : i32
          %dma_wait3A_79 = arith.constant 0 : i32
          %dma_wait3A_80 = tpu.memref_slice %arg3[%arg1, %add3A_32, %dma_wait3A_78, %dma_wait3A_79] : memref<16x2x32x128xi32, #tpu.memory_space<hbm>> -> memref<1x1x32x128xi32, #tpu.memory_space<hbm>>
          %dma_wait3A_81 = tpu.memref_squeeze %dma_wait3A_80 : memref<1x1x32x128xi32, #tpu.memory_space<hbm>> -> memref<32x128xi32, #tpu.memory_space<hbm>>
          tpu.wait_dma2 semaphore(%run_scoped3A_65 : memref<!tpu.dma_semaphore, #tpu.memory_space<semaphore_mem>>) src(%dma_wait3A_81 : memref<32x128xi32, #tpu.memory_space<hbm>>) dst(%arg9 : memref<32x128xi32, #tpu.memory_space<vmem>>)
          tpu.yield
        }) : () -> ()
        "tpu.region"() ({
          %run_scoped3A_65 = tpu.sem_alloc : memref<!tpu.dma_semaphore, #tpu.memory_space<semaphore_mem>>
          %dma_start3A_66 = arith.constant 0 : i32
          %dma_start3A_67 = arith.constant 0 : i32
          %dma_start3A_68 = tpu.memref_slice %arg4[%arg1, %add3A_32, %dma_start3A_66, %dma_start3A_67] : memref<16x2x32x128xi32, #tpu.memory_space<hbm>> -> memref<1x1x32x128xi32, #tpu.memory_space<hbm>>
          %dma_start3A_69 = tpu.memref_squeeze %dma_start3A_68 : memref<1x1x32x128xi32, #tpu.memory_space<hbm>> -> memref<32x128xi32, #tpu.memory_space<hbm>>
          %dma_start3A_70 = arith.constant 0 : i32
          %dma_start3A_71 = arith.constant 0 : i32
          %dma_start3A_72 = tpu.memref_slice %arg4[%arg1, %add3A_32, %dma_start3A_70, %dma_start3A_71] : memref<16x2x32x128xi32, #tpu.memory_space<hbm>> -> memref<1x1x32x128xi32, #tpu.memory_space<hbm>>
          %dma_start3A_73 = tpu.memref_squeeze %dma_start3A_72 : memref<1x1x32x128xi32, #tpu.memory_space<hbm>> -> memref<32x128xi32, #tpu.memory_space<hbm>>
          tpu.enqueue_dma source(%dma_start3A_73 : memref<32x128xi32, #tpu.memory_space<hbm>>) target(%arg10 : memref<32x128xi32, #tpu.memory_space<vmem>>) target_semaphore(%run_scoped3A_65 : memref<!tpu.dma_semaphore, #tpu.memory_space<semaphore_mem>>)
          %dma_wait3A_74 = arith.constant 0 : i32
          %dma_wait3A_75 = arith.constant 0 : i32
          %dma_wait3A_76 = tpu.memref_slice %arg4[%arg1, %add3A_32, %dma_wait3A_74, %dma_wait3A_75] : memref<16x2x32x128xi32, #tpu.memory_space<hbm>> -> memref<1x1x32x128xi32, #tpu.memory_space<hbm>>
          %dma_wait3A_77 = tpu.memref_squeeze %dma_wait3A_76 : memref<1x1x32x128xi32, #tpu.memory_space<hbm>> -> memref<32x128xi32, #tpu.memory_space<hbm>>
          %dma_wait3A_78 = arith.constant 0 : i32
          %dma_wait3A_79 = arith.constant 0 : i32
          %dma_wait3A_80 = tpu.memref_slice %arg4[%arg1, %add3A_32, %dma_wait3A_78, %dma_wait3A_79] : memref<16x2x32x128xi32, #tpu.memory_space<hbm>> -> memref<1x1x32x128xi32, #tpu.memory_space<hbm>>
          %dma_wait3A_81 = tpu.memref_squeeze %dma_wait3A_80 : memref<1x1x32x128xi32, #tpu.memory_space<hbm>> -> memref<32x128xi32, #tpu.memory_space<hbm>>
          tpu.wait_dma2 semaphore(%run_scoped3A_65 : memref<!tpu.dma_semaphore, #tpu.memory_space<semaphore_mem>>) src(%dma_wait3A_81 : memref<32x128xi32, #tpu.memory_space<hbm>>) dst(%arg10 : memref<32x128xi32, #tpu.memory_space<vmem>>)
          tpu.yield
        }) : () -> ()
        %dma_start3A = arith.constant 0 : i32
        %dma_start3A_33 = arith.constant 0 : i32
        %dma_start3A_34 = tpu.memref_slice %arg9[%dma_start3A, %dma_start3A_33] : memref<32x128xi32, #tpu.memory_space<vmem>> -> memref<1x128xi32, #tpu.memory_space<vmem>>
        %dma_start3A_35 = tpu.memref_squeeze %dma_start3A_34 : memref<1x128xi32, #tpu.memory_space<vmem>> -> memref<128xi32, #tpu.memory_space<vmem>>
        %dma_start3A_36 = arith.constant 0 : i32
        %dma_start3A_37 = arith.constant 0 : i32
        %dma_start3A_38 = tpu.memref_slice %arg2[%dma_start3A_36, %dma_start3A_37] : memref<10008x128xf32, #tpu.memory_space<hbm>> -> memref<10008x128xf32, #tpu.memory_space<hbm>>
        tpu.enqueue_indirect_dma source(%dma_start3A_38 : memref<10008x128xf32, #tpu.memory_space<hbm>>) target(%arg11 : memref<128x128xf32, #tpu.memory_space<vmem>>) offsets(%dma_start3A_35 : memref<128xi32, #tpu.memory_space<vmem>>) semaphore(%arg13 : memref<!tpu.dma_semaphore, #tpu.memory_space<semaphore_mem>>)
        %dma_start3A_39 = arith.constant 1 : i32
        %dma_start3A_40 = arith.constant 0 : i32
        %dma_start3A_41 = tpu.memref_slice %arg9[%dma_start3A_39, %dma_start3A_40] : memref<32x128xi32, #tpu.memory_space<vmem>> -> memref<1x128xi32, #tpu.memory_space<vmem>>
        %dma_start3A_42 = tpu.memref_squeeze %dma_start3A_41 : memref<1x128xi32, #tpu.memory_space<vmem>> -> memref<128xi32, #tpu.memory_space<vmem>>
        %dma_start3A_43 = arith.constant 0 : i32
        %dma_start3A_44 = arith.constant 0 : i32
        %dma_start3A_45 = tpu.memref_slice %arg2[%dma_start3A_43, %dma_start3A_44] : memref<10008x128xf32, #tpu.memory_space<hbm>> -> memref<10008x128xf32, #tpu.memory_space<hbm>>
        tpu.enqueue_indirect_dma source(%dma_start3A_45 : memref<10008x128xf32, #tpu.memory_space<hbm>>) target(%arg12 : memref<128x128xf32, #tpu.memory_space<vmem>>) offsets(%dma_start3A_42 : memref<128xi32, #tpu.memory_space<vmem>>) semaphore(%arg14 : memref<!tpu.dma_semaphore, #tpu.memory_space<semaphore_mem>>)
        %scan3A_46 = arith.constant 0 : i32
        %scan3A_47 = arith.constant 15 : i32
        %scan3A_48 = arith.addi %scan3A_46, %scan3A_47 : i32
        %scan3A_49 = arith.constant 1 : i32
        scf.for %scan3A_65 = %scan3A_46 to %scan3A_48 step %scan3A_49  : i32 {
          %mul3A_66 = arith.constant 2 : i32
          %mul3A_67 = arith.muli %scan3A_65, %mul3A_66 : i32
          %add3A_68 = arith.constant 0 : i32
          %add3A_69 = arith.addi %add3A_68, %mul3A_67 : i32
          %add3A_70 = arith.constant 0 : i32
          %add3A_71 = arith.addi %add3A_69, %add3A_70 : i32
          %dma_wait3A_72 = arith.constant 0 : i32
          %dma_wait3A_73 = tpu.memref_slice %arg9[%add3A_71, %dma_wait3A_72] : memref<32x128xi32, #tpu.memory_space<vmem>> -> memref<1x128xi32, #tpu.memory_space<vmem>>
          %dma_wait3A_74 = tpu.memref_squeeze %dma_wait3A_73 : memref<1x128xi32, #tpu.memory_space<vmem>> -> memref<128xi32, #tpu.memory_space<vmem>>
          %dma_wait3A_75 = arith.constant 0 : i32
          %dma_wait3A_76 = arith.constant 0 : i32
          %dma_wait3A_77 = tpu.memref_slice %arg2[%dma_wait3A_75, %dma_wait3A_76] : memref<10008x128xf32, #tpu.memory_space<hbm>> -> memref<10008x128xf32, #tpu.memory_space<hbm>>
          tpu.wait_indirect_dma semaphore(%arg13 : memref<!tpu.dma_semaphore, #tpu.memory_space<semaphore_mem>>) src(%dma_wait3A_77 : memref<10008x128xf32, #tpu.memory_space<hbm>>) dst(%arg11 : memref<128x128xf32, #tpu.memory_space<vmem>>)
          "tpu.region"() ({
            %run_scoped3A_106 = tpu.sem_alloc : memref<!tpu.dma_semaphore, #tpu.memory_space<semaphore_mem>>
            %dma_start3A_107 = arith.constant 0 : i32
            %dma_start3A_108 = tpu.memref_slice %arg10[%add3A_71, %dma_start3A_107] : memref<32x128xi32, #tpu.memory_space<vmem>> -> memref<1x128xi32, #tpu.memory_space<vmem>>
            %dma_start3A_109 = tpu.memref_squeeze %dma_start3A_108 : memref<1x128xi32, #tpu.memory_space<vmem>> -> memref<128xi32, #tpu.memory_space<vmem>>
            %dma_start3A_110 = arith.constant 0 : i32
            %dma_start3A_111 = arith.constant 0 : i32
            %dma_start3A_112 = tpu.memref_slice %arg8[%dma_start3A_110, %dma_start3A_111] : memref<10008x128xf32, #tpu.memory_space<vmem_shared>> -> memref<10008x128xf32, #tpu.memory_space<vmem_shared>>
            tpu.enqueue_indirect_dma source(%arg11 : memref<128x128xf32, #tpu.memory_space<vmem>>) target(%dma_start3A_112 : memref<10008x128xf32, #tpu.memory_space<vmem_shared>>) offsets(%dma_start3A_109 : memref<128xi32, #tpu.memory_space<vmem>>) semaphore(%run_scoped3A_106 : memref<!tpu.dma_semaphore, #tpu.memory_space<semaphore_mem>>) {add = true}
            %dma_wait3A_113 = arith.constant 0 : i32
            %dma_wait3A_114 = tpu.memref_slice %arg10[%add3A_71, %dma_wait3A_113] : memref<32x128xi32, #tpu.memory_space<vmem>> -> memref<1x128xi32, #tpu.memory_space<vmem>>
            %dma_wait3A_115 = tpu.memref_squeeze %dma_wait3A_114 : memref<1x128xi32, #tpu.memory_space<vmem>> -> memref<128xi32, #tpu.memory_space<vmem>>
            %dma_wait3A_116 = arith.constant 0 : i32
            %dma_wait3A_117 = arith.constant 0 : i32
            %dma_wait3A_118 = tpu.memref_slice %arg8[%dma_wait3A_116, %dma_wait3A_117] : memref<10008x128xf32, #tpu.memory_space<vmem_shared>> -> memref<10008x128xf32, #tpu.memory_space<vmem_shared>>
            tpu.wait_indirect_dma semaphore(%run_scoped3A_106 : memref<!tpu.dma_semaphore, #tpu.memory_space<semaphore_mem>>) src(%arg11 : memref<128x128xf32, #tpu.memory_space<vmem>>) dst(%dma_wait3A_118 : memref<10008x128xf32, #tpu.memory_space<vmem_shared>>)
            tpu.yield
          }) : () -> ()
          %add3A_78 = arith.constant 0 : i32
          %add3A_79 = arith.addi %add3A_69, %add3A_78 : i32
          %add3A_80 = arith.constant 2 : i32
          %add3A_81 = arith.addi %add3A_79, %add3A_80 : i32
          %dma_start3A_82 = arith.constant 0 : i32
          %dma_start3A_83 = tpu.memref_slice %arg9[%add3A_81, %dma_start3A_82] : memref<32x128xi32, #tpu.memory_space<vmem>> -> memref<1x128xi32, #tpu.memory_space<vmem>>
          %dma_start3A_84 = tpu.memref_squeeze %dma_start3A_83 : memref<1x128xi32, #tpu.memory_space<vmem>> -> memref<128xi32, #tpu.memory_space<vmem>>
          %dma_start3A_85 = arith.constant 0 : i32
          %dma_start3A_86 = arith.constant 0 : i32
          %dma_start3A_87 = tpu.memref_slice %arg2[%dma_start3A_85, %dma_start3A_86] : memref<10008x128xf32, #tpu.memory_space<hbm>> -> memref<10008x128xf32, #tpu.memory_space<hbm>>
          tpu.enqueue_indirect_dma source(%dma_start3A_87 : memref<10008x128xf32, #tpu.memory_space<hbm>>) target(%arg11 : memref<128x128xf32, #tpu.memory_space<vmem>>) offsets(%dma_start3A_84 : memref<128xi32, #tpu.memory_space<vmem>>) semaphore(%arg13 : memref<!tpu.dma_semaphore, #tpu.memory_space<semaphore_mem>>)
          %add3A_88 = arith.constant 1 : i32
          %add3A_89 = arith.addi %add3A_69, %add3A_88 : i32
          %dma_wait3A_90 = arith.constant 0 : i32
          %dma_wait3A_91 = tpu.memref_slice %arg9[%add3A_89, %dma_wait3A_90] : memref<32x128xi32, #tpu.memory_space<vmem>> -> memref<1x128xi32, #tpu.memory_space<vmem>>
          %dma_wait3A_92 = tpu.memref_squeeze %dma_wait3A_91 : memref<1x128xi32, #tpu.memory_space<vmem>> -> memref<128xi32, #tpu.memory_space<vmem>>
          %dma_wait3A_93 = arith.constant 0 : i32
          %dma_wait3A_94 = arith.constant 0 : i32
          %dma_wait3A_95 = tpu.memref_slice %arg2[%dma_wait3A_93, %dma_wait3A_94] : memref<10008x128xf32, #tpu.memory_space<hbm>> -> memref<10008x128xf32, #tpu.memory_space<hbm>>
          tpu.wait_indirect_dma semaphore(%arg14 : memref<!tpu.dma_semaphore, #tpu.memory_space<semaphore_mem>>) src(%dma_wait3A_95 : memref<10008x128xf32, #tpu.memory_space<hbm>>) dst(%arg12 : memref<128x128xf32, #tpu.memory_space<vmem>>)
          "tpu.region"() ({
            %run_scoped3A_106 = tpu.sem_alloc : memref<!tpu.dma_semaphore, #tpu.memory_space<semaphore_mem>>
            %dma_start3A_107 = arith.constant 0 : i32
            %dma_start3A_108 = tpu.memref_slice %arg10[%add3A_89, %dma_start3A_107] : memref<32x128xi32, #tpu.memory_space<vmem>> -> memref<1x128xi32, #tpu.memory_space<vmem>>
            %dma_start3A_109 = tpu.memref_squeeze %dma_start3A_108 : memref<1x128xi32, #tpu.memory_space<vmem>> -> memref<128xi32, #tpu.memory_space<vmem>>
            %dma_start3A_110 = arith.constant 0 : i32
            %dma_start3A_111 = arith.constant 0 : i32
            %dma_start3A_112 = tpu.memref_slice %arg8[%dma_start3A_110, %dma_start3A_111] : memref<10008x128xf32, #tpu.memory_space<vmem_shared>> -> memref<10008x128xf32, #tpu.memory_space<vmem_shared>>
            tpu.enqueue_indirect_dma source(%arg12 : memref<128x128xf32, #tpu.memory_space<vmem>>) target(%dma_start3A_112 : memref<10008x128xf32, #tpu.memory_space<vmem_shared>>) offsets(%dma_start3A_109 : memref<128xi32, #tpu.memory_space<vmem>>) semaphore(%run_scoped3A_106 : memref<!tpu.dma_semaphore, #tpu.memory_space<semaphore_mem>>) {add = true}
            %dma_wait3A_113 = arith.constant 0 : i32
            %dma_wait3A_114 = tpu.memref_slice %arg10[%add3A_89, %dma_wait3A_113] : memref<32x128xi32, #tpu.memory_space<vmem>> -> memref<1x128xi32, #tpu.memory_space<vmem>>
            %dma_wait3A_115 = tpu.memref_squeeze %dma_wait3A_114 : memref<1x128xi32, #tpu.memory_space<vmem>> -> memref<128xi32, #tpu.memory_space<vmem>>
            %dma_wait3A_116 = arith.constant 0 : i32
            %dma_wait3A_117 = arith.constant 0 : i32
            %dma_wait3A_118 = tpu.memref_slice %arg8[%dma_wait3A_116, %dma_wait3A_117] : memref<10008x128xf32, #tpu.memory_space<vmem_shared>> -> memref<10008x128xf32, #tpu.memory_space<vmem_shared>>
            tpu.wait_indirect_dma semaphore(%run_scoped3A_106 : memref<!tpu.dma_semaphore, #tpu.memory_space<semaphore_mem>>) src(%arg12 : memref<128x128xf32, #tpu.memory_space<vmem>>) dst(%dma_wait3A_118 : memref<10008x128xf32, #tpu.memory_space<vmem_shared>>)
            tpu.yield
          }) : () -> ()
          %add3A_96 = arith.constant 1 : i32
          %add3A_97 = arith.addi %add3A_69, %add3A_96 : i32
          %add3A_98 = arith.constant 2 : i32
          %add3A_99 = arith.addi %add3A_97, %add3A_98 : i32
          %dma_start3A_100 = arith.constant 0 : i32
          %dma_start3A_101 = tpu.memref_slice %arg9[%add3A_99, %dma_start3A_100] : memref<32x128xi32, #tpu.memory_space<vmem>> -> memref<1x128xi32, #tpu.memory_space<vmem>>
          %dma_start3A_102 = tpu.memref_squeeze %dma_start3A_101 : memref<1x128xi32, #tpu.memory_space<vmem>> -> memref<128xi32, #tpu.memory_space<vmem>>
          %dma_start3A_103 = arith.constant 0 : i32
          %dma_start3A_104 = arith.constant 0 : i32
          %dma_start3A_105 = tpu.memref_slice %arg2[%dma_start3A_103, %dma_start3A_104] : memref<10008x128xf32, #tpu.memory_space<hbm>> -> memref<10008x128xf32, #tpu.memory_space<hbm>>
          tpu.enqueue_indirect_dma source(%dma_start3A_105 : memref<10008x128xf32, #tpu.memory_space<hbm>>) target(%arg12 : memref<128x128xf32, #tpu.memory_space<vmem>>) offsets(%dma_start3A_102 : memref<128xi32, #tpu.memory_space<vmem>>) semaphore(%arg14 : memref<!tpu.dma_semaphore, #tpu.memory_space<semaphore_mem>>)
        }
        %scan3A_50 = arith.constant 15 : i32
        %dma_wait3A = arith.constant 30 : i32
        %dma_wait3A_51 = arith.constant 0 : i32
        %dma_wait3A_52 = tpu.memref_slice %arg9[%dma_wait3A, %dma_wait3A_51] : memref<32x128xi32, #tpu.memory_space<vmem>> -> memref<1x128xi32, #tpu.memory_space<vmem>>
        %dma_wait3A_53 = tpu.memref_squeeze %dma_wait3A_52 : memref<1x128xi32, #tpu.memory_space<vmem>> -> memref<128xi32, #tpu.memory_space<vmem>>
        %dma_wait3A_54 = arith.constant 0 : i32
        %dma_wait3A_55 = arith.constant 0 : i32
        %dma_wait3A_56 = tpu.memref_slice %arg2[%dma_wait3A_54, %dma_wait3A_55] : memref<10008x128xf32, #tpu.memory_space<hbm>> -> memref<10008x128xf32, #tpu.memory_space<hbm>>
        tpu.wait_indirect_dma semaphore(%arg13 : memref<!tpu.dma_semaphore, #tpu.memory_space<semaphore_mem>>) src(%dma_wait3A_56 : memref<10008x128xf32, #tpu.memory_space<hbm>>) dst(%arg11 : memref<128x128xf32, #tpu.memory_space<vmem>>)
        %run_scoped3A = arith.constant 30 : i32
        "tpu.region"() ({
          %run_scoped3A_65 = tpu.sem_alloc : memref<!tpu.dma_semaphore, #tpu.memory_space<semaphore_mem>>
          %dma_start3A_66 = arith.constant 0 : i32
          %dma_start3A_67 = tpu.memref_slice %arg10[%run_scoped3A, %dma_start3A_66] : memref<32x128xi32, #tpu.memory_space<vmem>> -> memref<1x128xi32, #tpu.memory_space<vmem>>
          %dma_start3A_68 = tpu.memref_squeeze %dma_start3A_67 : memref<1x128xi32, #tpu.memory_space<vmem>> -> memref<128xi32, #tpu.memory_space<vmem>>
          %dma_start3A_69 = arith.constant 0 : i32
          %dma_start3A_70 = arith.constant 0 : i32
          %dma_start3A_71 = tpu.memref_slice %arg8[%dma_start3A_69, %dma_start3A_70] : memref<10008x128xf32, #tpu.memory_space<vmem_shared>> -> memref<10008x128xf32, #tpu.memory_space<vmem_shared>>
          tpu.enqueue_indirect_dma source(%arg11 : memref<128x128xf32, #tpu.memory_space<vmem>>) target(%dma_start3A_71 : memref<10008x128xf32, #tpu.memory_space<vmem_shared>>) offsets(%dma_start3A_68 : memref<128xi32, #tpu.memory_space<vmem>>) semaphore(%run_scoped3A_65 : memref<!tpu.dma_semaphore, #tpu.memory_space<semaphore_mem>>) {add = true}
          %dma_wait3A_72 = arith.constant 0 : i32
          %dma_wait3A_73 = tpu.memref_slice %arg10[%run_scoped3A, %dma_wait3A_72] : memref<32x128xi32, #tpu.memory_space<vmem>> -> memref<1x128xi32, #tpu.memory_space<vmem>>
          %dma_wait3A_74 = tpu.memref_squeeze %dma_wait3A_73 : memref<1x128xi32, #tpu.memory_space<vmem>> -> memref<128xi32, #tpu.memory_space<vmem>>
          %dma_wait3A_75 = arith.constant 0 : i32
          %dma_wait3A_76 = arith.constant 0 : i32
          %dma_wait3A_77 = tpu.memref_slice %arg8[%dma_wait3A_75, %dma_wait3A_76] : memref<10008x128xf32, #tpu.memory_space<vmem_shared>> -> memref<10008x128xf32, #tpu.memory_space<vmem_shared>>
          tpu.wait_indirect_dma semaphore(%run_scoped3A_65 : memref<!tpu.dma_semaphore, #tpu.memory_space<semaphore_mem>>) src(%arg11 : memref<128x128xf32, #tpu.memory_space<vmem>>) dst(%dma_wait3A_77 : memref<10008x128xf32, #tpu.memory_space<vmem_shared>>)
          tpu.yield
        }) : () -> ()
        %dma_wait3A_57 = arith.constant 31 : i32
        %dma_wait3A_58 = arith.constant 0 : i32
        %dma_wait3A_59 = tpu.memref_slice %arg9[%dma_wait3A_57, %dma_wait3A_58] : memref<32x128xi32, #tpu.memory_space<vmem>> -> memref<1x128xi32, #tpu.memory_space<vmem>>
        %dma_wait3A_60 = tpu.memref_squeeze %dma_wait3A_59 : memref<1x128xi32, #tpu.memory_space<vmem>> -> memref<128xi32, #tpu.memory_space<vmem>>
        %dma_wait3A_61 = arith.constant 0 : i32
        %dma_wait3A_62 = arith.constant 0 : i32
        %dma_wait3A_63 = tpu.memref_slice %arg2[%dma_wait3A_61, %dma_wait3A_62] : memref<10008x128xf32, #tpu.memory_space<hbm>> -> memref<10008x128xf32, #tpu.memory_space<hbm>>
        tpu.wait_indirect_dma semaphore(%arg14 : memref<!tpu.dma_semaphore, #tpu.memory_space<semaphore_mem>>) src(%dma_wait3A_63 : memref<10008x128xf32, #tpu.memory_space<hbm>>) dst(%arg12 : memref<128x128xf32, #tpu.memory_space<vmem>>)
        %run_scoped3A_64 = arith.constant 31 : i32
        "tpu.region"() ({
          %run_scoped3A_65 = tpu.sem_alloc : memref<!tpu.dma_semaphore, #tpu.memory_space<semaphore_mem>>
          %dma_start3A_66 = arith.constant 0 : i32
          %dma_start3A_67 = tpu.memref_slice %arg10[%run_scoped3A_64, %dma_start3A_66] : memref<32x128xi32, #tpu.memory_space<vmem>> -> memref<1x128xi32, #tpu.memory_space<vmem>>
          %dma_start3A_68 = tpu.memref_squeeze %dma_start3A_67 : memref<1x128xi32, #tpu.memory_space<vmem>> -> memref<128xi32, #tpu.memory_space<vmem>>
          %dma_start3A_69 = arith.constant 0 : i32
          %dma_start3A_70 = arith.constant 0 : i32
          %dma_start3A_71 = tpu.memref_slice %arg8[%dma_start3A_69, %dma_start3A_70] : memref<10008x128xf32, #tpu.memory_space<vmem_shared>> -> memref<10008x128xf32, #tpu.memory_space<vmem_shared>>
          tpu.enqueue_indirect_dma source(%arg12 : memref<128x128xf32, #tpu.memory_space<vmem>>) target(%dma_start3A_71 : memref<10008x128xf32, #tpu.memory_space<vmem_shared>>) offsets(%dma_start3A_68 : memref<128xi32, #tpu.memory_space<vmem>>) semaphore(%run_scoped3A_65 : memref<!tpu.dma_semaphore, #tpu.memory_space<semaphore_mem>>) {add = true}
          %dma_wait3A_72 = arith.constant 0 : i32
          %dma_wait3A_73 = tpu.memref_slice %arg10[%run_scoped3A_64, %dma_wait3A_72] : memref<32x128xi32, #tpu.memory_space<vmem>> -> memref<1x128xi32, #tpu.memory_space<vmem>>
          %dma_wait3A_74 = tpu.memref_squeeze %dma_wait3A_73 : memref<1x128xi32, #tpu.memory_space<vmem>> -> memref<128xi32, #tpu.memory_space<vmem>>
          %dma_wait3A_75 = arith.constant 0 : i32
          %dma_wait3A_76 = arith.constant 0 : i32
          %dma_wait3A_77 = tpu.memref_slice %arg8[%dma_wait3A_75, %dma_wait3A_76] : memref<10008x128xf32, #tpu.memory_space<vmem_shared>> -> memref<10008x128xf32, #tpu.memory_space<vmem_shared>>
          tpu.wait_indirect_dma semaphore(%run_scoped3A_65 : memref<!tpu.dma_semaphore, #tpu.memory_space<semaphore_mem>>) src(%arg12 : memref<128x128xf32, #tpu.memory_space<vmem>>) dst(%dma_wait3A_77 : memref<10008x128xf32, #tpu.memory_space<vmem_shared>>)
          tpu.yield
        }) : () -> ()
      }
      %scan3A_28 = arith.constant 2 : i32
    } else {
    }
    %eq3A_10 = arith.constant 1 : i32
    %eq3A_11 = arith.cmpi eq, %arg0, %eq3A_10 : i32
    %convert_element_type3A_12 = arith.extui %eq3A_11 : i1 to i32
    %cond3A_13 = arith.constant 0 : i32
    %cond3A_14 = arith.cmpi ne, %convert_element_type3A_12, %cond3A_13 : i32
    scf.if %cond3A_14 {
      %scan3A = arith.constant 0 : i32
      %scan3A_25 = arith.constant 3 : i32
      %scan3A_26 = arith.addi %scan3A, %scan3A_25 : i32
      %scan3A_27 = arith.constant 1 : i32
      scf.for %scan3A_29 = %scan3A to %scan3A_26 step %scan3A_27  : i32 {
        %mul3A_30 = arith.constant 1 : i32
        %mul3A_31 = arith.muli %scan3A_29, %mul3A_30 : i32
        %add3A = arith.constant 0 : i32
        %add3A_32 = arith.addi %add3A, %mul3A_31 : i32
        "tpu.region"() ({
          %run_scoped3A_65 = tpu.sem_alloc : memref<!tpu.dma_semaphore, #tpu.memory_space<semaphore_mem>>
          %dma_start3A_66 = arith.constant 0 : i32
          %dma_start3A_67 = arith.constant 0 : i32
          %dma_start3A_68 = tpu.memref_slice %arg5[%arg1, %add3A_32, %dma_start3A_66, %dma_start3A_67] : memref<16x3x32x128xi32, #tpu.memory_space<hbm>> -> memref<1x1x32x128xi32, #tpu.memory_space<hbm>>
          %dma_start3A_69 = tpu.memref_squeeze %dma_start3A_68 : memref<1x1x32x128xi32, #tpu.memory_space<hbm>> -> memref<32x128xi32, #tpu.memory_space<hbm>>
          %dma_start3A_70 = arith.constant 0 : i32
          %dma_start3A_71 = arith.constant 0 : i32
          %dma_start3A_72 = tpu.memref_slice %arg5[%arg1, %add3A_32, %dma_start3A_70, %dma_start3A_71] : memref<16x3x32x128xi32, #tpu.memory_space<hbm>> -> memref<1x1x32x128xi32, #tpu.memory_space<hbm>>
          %dma_start3A_73 = tpu.memref_squeeze %dma_start3A_72 : memref<1x1x32x128xi32, #tpu.memory_space<hbm>> -> memref<32x128xi32, #tpu.memory_space<hbm>>
          tpu.enqueue_dma source(%dma_start3A_73 : memref<32x128xi32, #tpu.memory_space<hbm>>) target(%arg9 : memref<32x128xi32, #tpu.memory_space<vmem>>) target_semaphore(%run_scoped3A_65 : memref<!tpu.dma_semaphore, #tpu.memory_space<semaphore_mem>>)
          %dma_wait3A_74 = arith.constant 0 : i32
          %dma_wait3A_75 = arith.constant 0 : i32
          %dma_wait3A_76 = tpu.memref_slice %arg5[%arg1, %add3A_32, %dma_wait3A_74, %dma_wait3A_75] : memref<16x3x32x128xi32, #tpu.memory_space<hbm>> -> memref<1x1x32x128xi32, #tpu.memory_space<hbm>>
          %dma_wait3A_77 = tpu.memref_squeeze %dma_wait3A_76 : memref<1x1x32x128xi32, #tpu.memory_space<hbm>> -> memref<32x128xi32, #tpu.memory_space<hbm>>
          %dma_wait3A_78 = arith.constant 0 : i32
          %dma_wait3A_79 = arith.constant 0 : i32
          %dma_wait3A_80 = tpu.memref_slice %arg5[%arg1, %add3A_32, %dma_wait3A_78, %dma_wait3A_79] : memref<16x3x32x128xi32, #tpu.memory_space<hbm>> -> memref<1x1x32x128xi32, #tpu.memory_space<hbm>>
          %dma_wait3A_81 = tpu.memref_squeeze %dma_wait3A_80 : memref<1x1x32x128xi32, #tpu.memory_space<hbm>> -> memref<32x128xi32, #tpu.memory_space<hbm>>
          tpu.wait_dma2 semaphore(%run_scoped3A_65 : memref<!tpu.dma_semaphore, #tpu.memory_space<semaphore_mem>>) src(%dma_wait3A_81 : memref<32x128xi32, #tpu.memory_space<hbm>>) dst(%arg9 : memref<32x128xi32, #tpu.memory_space<vmem>>)
          tpu.yield
        }) : () -> ()
        "tpu.region"() ({
          %run_scoped3A_65 = tpu.sem_alloc : memref<!tpu.dma_semaphore, #tpu.memory_space<semaphore_mem>>
          %dma_start3A_66 = arith.constant 0 : i32
          %dma_start3A_67 = arith.constant 0 : i32
          %dma_start3A_68 = tpu.memref_slice %arg6[%arg1, %add3A_32, %dma_start3A_66, %dma_start3A_67] : memref<16x3x32x128xi32, #tpu.memory_space<hbm>> -> memref<1x1x32x128xi32, #tpu.memory_space<hbm>>
          %dma_start3A_69 = tpu.memref_squeeze %dma_start3A_68 : memref<1x1x32x128xi32, #tpu.memory_space<hbm>> -> memref<32x128xi32, #tpu.memory_space<hbm>>
          %dma_start3A_70 = arith.constant 0 : i32
          %dma_start3A_71 = arith.constant 0 : i32
          %dma_start3A_72 = tpu.memref_slice %arg6[%arg1, %add3A_32, %dma_start3A_70, %dma_start3A_71] : memref<16x3x32x128xi32, #tpu.memory_space<hbm>> -> memref<1x1x32x128xi32, #tpu.memory_space<hbm>>
          %dma_start3A_73 = tpu.memref_squeeze %dma_start3A_72 : memref<1x1x32x128xi32, #tpu.memory_space<hbm>> -> memref<32x128xi32, #tpu.memory_space<hbm>>
          tpu.enqueue_dma source(%dma_start3A_73 : memref<32x128xi32, #tpu.memory_space<hbm>>) target(%arg10 : memref<32x128xi32, #tpu.memory_space<vmem>>) target_semaphore(%run_scoped3A_65 : memref<!tpu.dma_semaphore, #tpu.memory_space<semaphore_mem>>)
          %dma_wait3A_74 = arith.constant 0 : i32
          %dma_wait3A_75 = arith.constant 0 : i32
          %dma_wait3A_76 = tpu.memref_slice %arg6[%arg1, %add3A_32, %dma_wait3A_74, %dma_wait3A_75] : memref<16x3x32x128xi32, #tpu.memory_space<hbm>> -> memref<1x1x32x128xi32, #tpu.memory_space<hbm>>
          %dma_wait3A_77 = tpu.memref_squeeze %dma_wait3A_76 : memref<1x1x32x128xi32, #tpu.memory_space<hbm>> -> memref<32x128xi32, #tpu.memory_space<hbm>>
          %dma_wait3A_78 = arith.constant 0 : i32
          %dma_wait3A_79 = arith.constant 0 : i32
          %dma_wait3A_80 = tpu.memref_slice %arg6[%arg1, %add3A_32, %dma_wait3A_78, %dma_wait3A_79] : memref<16x3x32x128xi32, #tpu.memory_space<hbm>> -> memref<1x1x32x128xi32, #tpu.memory_space<hbm>>
          %dma_wait3A_81 = tpu.memref_squeeze %dma_wait3A_80 : memref<1x1x32x128xi32, #tpu.memory_space<hbm>> -> memref<32x128xi32, #tpu.memory_space<hbm>>
          tpu.wait_dma2 semaphore(%run_scoped3A_65 : memref<!tpu.dma_semaphore, #tpu.memory_space<semaphore_mem>>) src(%dma_wait3A_81 : memref<32x128xi32, #tpu.memory_space<hbm>>) dst(%arg10 : memref<32x128xi32, #tpu.memory_space<vmem>>)
          tpu.yield
        }) : () -> ()
        %dma_start3A = arith.constant 0 : i32
        %dma_start3A_33 = arith.constant 0 : i32
        %dma_start3A_34 = tpu.memref_slice %arg9[%dma_start3A, %dma_start3A_33] : memref<32x128xi32, #tpu.memory_space<vmem>> -> memref<1x128xi32, #tpu.memory_space<vmem>>
        %dma_start3A_35 = tpu.memref_squeeze %dma_start3A_34 : memref<1x128xi32, #tpu.memory_space<vmem>> -> memref<128xi32, #tpu.memory_space<vmem>>
        %dma_start3A_36 = arith.constant 0 : i32
        %dma_start3A_37 = arith.constant 0 : i32
        %dma_start3A_38 = tpu.memref_slice %arg2[%dma_start3A_36, %dma_start3A_37] : memref<10008x128xf32, #tpu.memory_space<hbm>> -> memref<10008x128xf32, #tpu.memory_space<hbm>>
        tpu.enqueue_indirect_dma source(%dma_start3A_38 : memref<10008x128xf32, #tpu.memory_space<hbm>>) target(%arg11 : memref<128x128xf32, #tpu.memory_space<vmem>>) offsets(%dma_start3A_35 : memref<128xi32, #tpu.memory_space<vmem>>) semaphore(%arg13 : memref<!tpu.dma_semaphore, #tpu.memory_space<semaphore_mem>>)
        %dma_start3A_39 = arith.constant 1 : i32
        %dma_start3A_40 = arith.constant 0 : i32
        %dma_start3A_41 = tpu.memref_slice %arg9[%dma_start3A_39, %dma_start3A_40] : memref<32x128xi32, #tpu.memory_space<vmem>> -> memref<1x128xi32, #tpu.memory_space<vmem>>
        %dma_start3A_42 = tpu.memref_squeeze %dma_start3A_41 : memref<1x128xi32, #tpu.memory_space<vmem>> -> memref<128xi32, #tpu.memory_space<vmem>>
        %dma_start3A_43 = arith.constant 0 : i32
        %dma_start3A_44 = arith.constant 0 : i32
        %dma_start3A_45 = tpu.memref_slice %arg2[%dma_start3A_43, %dma_start3A_44] : memref<10008x128xf32, #tpu.memory_space<hbm>> -> memref<10008x128xf32, #tpu.memory_space<hbm>>
        tpu.enqueue_indirect_dma source(%dma_start3A_45 : memref<10008x128xf32, #tpu.memory_space<hbm>>) target(%arg12 : memref<128x128xf32, #tpu.memory_space<vmem>>) offsets(%dma_start3A_42 : memref<128xi32, #tpu.memory_space<vmem>>) semaphore(%arg14 : memref<!tpu.dma_semaphore, #tpu.memory_space<semaphore_mem>>)
        %scan3A_46 = arith.constant 0 : i32
        %scan3A_47 = arith.constant 15 : i32
        %scan3A_48 = arith.addi %scan3A_46, %scan3A_47 : i32
        %scan3A_49 = arith.constant 1 : i32
        scf.for %scan3A_65 = %scan3A_46 to %scan3A_48 step %scan3A_49  : i32 {
          %mul3A_66 = arith.constant 2 : i32
          %mul3A_67 = arith.muli %scan3A_65, %mul3A_66 : i32
          %add3A_68 = arith.constant 0 : i32
          %add3A_69 = arith.addi %add3A_68, %mul3A_67 : i32
          %add3A_70 = arith.constant 0 : i32
          %add3A_71 = arith.addi %add3A_69, %add3A_70 : i32
          %dma_wait3A_72 = arith.constant 0 : i32
          %dma_wait3A_73 = tpu.memref_slice %arg9[%add3A_71, %dma_wait3A_72] : memref<32x128xi32, #tpu.memory_space<vmem>> -> memref<1x128xi32, #tpu.memory_space<vmem>>
          %dma_wait3A_74 = tpu.memref_squeeze %dma_wait3A_73 : memref<1x128xi32, #tpu.memory_space<vmem>> -> memref<128xi32, #tpu.memory_space<vmem>>
          %dma_wait3A_75 = arith.constant 0 : i32
          %dma_wait3A_76 = arith.constant 0 : i32
          %dma_wait3A_77 = tpu.memref_slice %arg2[%dma_wait3A_75, %dma_wait3A_76] : memref<10008x128xf32, #tpu.memory_space<hbm>> -> memref<10008x128xf32, #tpu.memory_space<hbm>>
          tpu.wait_indirect_dma semaphore(%arg13 : memref<!tpu.dma_semaphore, #tpu.memory_space<semaphore_mem>>) src(%dma_wait3A_77 : memref<10008x128xf32, #tpu.memory_space<hbm>>) dst(%arg11 : memref<128x128xf32, #tpu.memory_space<vmem>>)
          "tpu.region"() ({
            %run_scoped3A_106 = tpu.sem_alloc : memref<!tpu.dma_semaphore, #tpu.memory_space<semaphore_mem>>
            %dma_start3A_107 = arith.constant 0 : i32
            %dma_start3A_108 = tpu.memref_slice %arg10[%add3A_71, %dma_start3A_107] : memref<32x128xi32, #tpu.memory_space<vmem>> -> memref<1x128xi32, #tpu.memory_space<vmem>>
            %dma_start3A_109 = tpu.memref_squeeze %dma_start3A_108 : memref<1x128xi32, #tpu.memory_space<vmem>> -> memref<128xi32, #tpu.memory_space<vmem>>
            %dma_start3A_110 = arith.constant 0 : i32
            %dma_start3A_111 = arith.constant 0 : i32
            %dma_start3A_112 = tpu.memref_slice %arg8[%dma_start3A_110, %dma_start3A_111] : memref<10008x128xf32, #tpu.memory_space<vmem_shared>> -> memref<10008x128xf32, #tpu.memory_space<vmem_shared>>
            tpu.enqueue_indirect_dma source(%arg11 : memref<128x128xf32, #tpu.memory_space<vmem>>) target(%dma_start3A_112 : memref<10008x128xf32, #tpu.memory_space<vmem_shared>>) offsets(%dma_start3A_109 : memref<128xi32, #tpu.memory_space<vmem>>) semaphore(%run_scoped3A_106 : memref<!tpu.dma_semaphore, #tpu.memory_space<semaphore_mem>>) {add = true}
            %dma_wait3A_113 = arith.constant 0 : i32
            %dma_wait3A_114 = tpu.memref_slice %arg10[%add3A_71, %dma_wait3A_113] : memref<32x128xi32, #tpu.memory_space<vmem>> -> memref<1x128xi32, #tpu.memory_space<vmem>>
            %dma_wait3A_115 = tpu.memref_squeeze %dma_wait3A_114 : memref<1x128xi32, #tpu.memory_space<vmem>> -> memref<128xi32, #tpu.memory_space<vmem>>
            %dma_wait3A_116 = arith.constant 0 : i32
            %dma_wait3A_117 = arith.constant 0 : i32
            %dma_wait3A_118 = tpu.memref_slice %arg8[%dma_wait3A_116, %dma_wait3A_117] : memref<10008x128xf32, #tpu.memory_space<vmem_shared>> -> memref<10008x128xf32, #tpu.memory_space<vmem_shared>>
            tpu.wait_indirect_dma semaphore(%run_scoped3A_106 : memref<!tpu.dma_semaphore, #tpu.memory_space<semaphore_mem>>) src(%arg11 : memref<128x128xf32, #tpu.memory_space<vmem>>) dst(%dma_wait3A_118 : memref<10008x128xf32, #tpu.memory_space<vmem_shared>>)
            tpu.yield
          }) : () -> ()
          %add3A_78 = arith.constant 0 : i32
          %add3A_79 = arith.addi %add3A_69, %add3A_78 : i32
          %add3A_80 = arith.constant 2 : i32
          %add3A_81 = arith.addi %add3A_79, %add3A_80 : i32
          %dma_start3A_82 = arith.constant 0 : i32
          %dma_start3A_83 = tpu.memref_slice %arg9[%add3A_81, %dma_start3A_82] : memref<32x128xi32, #tpu.memory_space<vmem>> -> memref<1x128xi32, #tpu.memory_space<vmem>>
          %dma_start3A_84 = tpu.memref_squeeze %dma_start3A_83 : memref<1x128xi32, #tpu.memory_space<vmem>> -> memref<128xi32, #tpu.memory_space<vmem>>
          %dma_start3A_85 = arith.constant 0 : i32
          %dma_start3A_86 = arith.constant 0 : i32
          %dma_start3A_87 = tpu.memref_slice %arg2[%dma_start3A_85, %dma_start3A_86] : memref<10008x128xf32, #tpu.memory_space<hbm>> -> memref<10008x128xf32, #tpu.memory_space<hbm>>
          tpu.enqueue_indirect_dma source(%dma_start3A_87 : memref<10008x128xf32, #tpu.memory_space<hbm>>) target(%arg11 : memref<128x128xf32, #tpu.memory_space<vmem>>) offsets(%dma_start3A_84 : memref<128xi32, #tpu.memory_space<vmem>>) semaphore(%arg13 : memref<!tpu.dma_semaphore, #tpu.memory_space<semaphore_mem>>)
          %add3A_88 = arith.constant 1 : i32
          %add3A_89 = arith.addi %add3A_69, %add3A_88 : i32
          %dma_wait3A_90 = arith.constant 0 : i32
          %dma_wait3A_91 = tpu.memref_slice %arg9[%add3A_89, %dma_wait3A_90] : memref<32x128xi32, #tpu.memory_space<vmem>> -> memref<1x128xi32, #tpu.memory_space<vmem>>
          %dma_wait3A_92 = tpu.memref_squeeze %dma_wait3A_91 : memref<1x128xi32, #tpu.memory_space<vmem>> -> memref<128xi32, #tpu.memory_space<vmem>>
          %dma_wait3A_93 = arith.constant 0 : i32
          %dma_wait3A_94 = arith.constant 0 : i32
          %dma_wait3A_95 = tpu.memref_slice %arg2[%dma_wait3A_93, %dma_wait3A_94] : memref<10008x128xf32, #tpu.memory_space<hbm>> -> memref<10008x128xf32, #tpu.memory_space<hbm>>
          tpu.wait_indirect_dma semaphore(%arg14 : memref<!tpu.dma_semaphore, #tpu.memory_space<semaphore_mem>>) src(%dma_wait3A_95 : memref<10008x128xf32, #tpu.memory_space<hbm>>) dst(%arg12 : memref<128x128xf32, #tpu.memory_space<vmem>>)
          "tpu.region"() ({
            %run_scoped3A_106 = tpu.sem_alloc : memref<!tpu.dma_semaphore, #tpu.memory_space<semaphore_mem>>
            %dma_start3A_107 = arith.constant 0 : i32
            %dma_start3A_108 = tpu.memref_slice %arg10[%add3A_89, %dma_start3A_107] : memref<32x128xi32, #tpu.memory_space<vmem>> -> memref<1x128xi32, #tpu.memory_space<vmem>>
            %dma_start3A_109 = tpu.memref_squeeze %dma_start3A_108 : memref<1x128xi32, #tpu.memory_space<vmem>> -> memref<128xi32, #tpu.memory_space<vmem>>
            %dma_start3A_110 = arith.constant 0 : i32
            %dma_start3A_111 = arith.constant 0 : i32
            %dma_start3A_112 = tpu.memref_slice %arg8[%dma_start3A_110, %dma_start3A_111] : memref<10008x128xf32, #tpu.memory_space<vmem_shared>> -> memref<10008x128xf32, #tpu.memory_space<vmem_shared>>
            tpu.enqueue_indirect_dma source(%arg12 : memref<128x128xf32, #tpu.memory_space<vmem>>) target(%dma_start3A_112 : memref<10008x128xf32, #tpu.memory_space<vmem_shared>>) offsets(%dma_start3A_109 : memref<128xi32, #tpu.memory_space<vmem>>) semaphore(%run_scoped3A_106 : memref<!tpu.dma_semaphore, #tpu.memory_space<semaphore_mem>>) {add = true}
            %dma_wait3A_113 = arith.constant 0 : i32
            %dma_wait3A_114 = tpu.memref_slice %arg10[%add3A_89, %dma_wait3A_113] : memref<32x128xi32, #tpu.memory_space<vmem>> -> memref<1x128xi32, #tpu.memory_space<vmem>>
            %dma_wait3A_115 = tpu.memref_squeeze %dma_wait3A_114 : memref<1x128xi32, #tpu.memory_space<vmem>> -> memref<128xi32, #tpu.memory_space<vmem>>
            %dma_wait3A_116 = arith.constant 0 : i32
            %dma_wait3A_117 = arith.constant 0 : i32
            %dma_wait3A_118 = tpu.memref_slice %arg8[%dma_wait3A_116, %dma_wait3A_117] : memref<10008x128xf32, #tpu.memory_space<vmem_shared>> -> memref<10008x128xf32, #tpu.memory_space<vmem_shared>>
            tpu.wait_indirect_dma semaphore(%run_scoped3A_106 : memref<!tpu.dma_semaphore, #tpu.memory_space<semaphore_mem>>) src(%arg12 : memref<128x128xf32, #tpu.memory_space<vmem>>) dst(%dma_wait3A_118 : memref<10008x128xf32, #tpu.memory_space<vmem_shared>>)
            tpu.yield
          }) : () -> ()
          %add3A_96 = arith.constant 1 : i32
          %add3A_97 = arith.addi %add3A_69, %add3A_96 : i32
          %add3A_98 = arith.constant 2 : i32
          %add3A_99 = arith.addi %add3A_97, %add3A_98 : i32
          %dma_start3A_100 = arith.constant 0 : i32
          %dma_start3A_101 = tpu.memref_slice %arg9[%add3A_99, %dma_start3A_100] : memref<32x128xi32, #tpu.memory_space<vmem>> -> memref<1x128xi32, #tpu.memory_space<vmem>>
          %dma_start3A_102 = tpu.memref_squeeze %dma_start3A_101 : memref<1x128xi32, #tpu.memory_space<vmem>> -> memref<128xi32, #tpu.memory_space<vmem>>
          %dma_start3A_103 = arith.constant 0 : i32
          %dma_start3A_104 = arith.constant 0 : i32
          %dma_start3A_105 = tpu.memref_slice %arg2[%dma_start3A_103, %dma_start3A_104] : memref<10008x128xf32, #tpu.memory_space<hbm>> -> memref<10008x128xf32, #tpu.memory_space<hbm>>
          tpu.enqueue_indirect_dma source(%dma_start3A_105 : memref<10008x128xf32, #tpu.memory_space<hbm>>) target(%arg12 : memref<128x128xf32, #tpu.memory_space<vmem>>) offsets(%dma_start3A_102 : memref<128xi32, #tpu.memory_space<vmem>>) semaphore(%arg14 : memref<!tpu.dma_semaphore, #tpu.memory_space<semaphore_mem>>)
        }
        %scan3A_50 = arith.constant 15 : i32
        %dma_wait3A = arith.constant 30 : i32
        %dma_wait3A_51 = arith.constant 0 : i32
        %dma_wait3A_52 = tpu.memref_slice %arg9[%dma_wait3A, %dma_wait3A_51] : memref<32x128xi32, #tpu.memory_space<vmem>> -> memref<1x128xi32, #tpu.memory_space<vmem>>
        %dma_wait3A_53 = tpu.memref_squeeze %dma_wait3A_52 : memref<1x128xi32, #tpu.memory_space<vmem>> -> memref<128xi32, #tpu.memory_space<vmem>>
        %dma_wait3A_54 = arith.constant 0 : i32
        %dma_wait3A_55 = arith.constant 0 : i32
        %dma_wait3A_56 = tpu.memref_slice %arg2[%dma_wait3A_54, %dma_wait3A_55] : memref<10008x128xf32, #tpu.memory_space<hbm>> -> memref<10008x128xf32, #tpu.memory_space<hbm>>
        tpu.wait_indirect_dma semaphore(%arg13 : memref<!tpu.dma_semaphore, #tpu.memory_space<semaphore_mem>>) src(%dma_wait3A_56 : memref<10008x128xf32, #tpu.memory_space<hbm>>) dst(%arg11 : memref<128x128xf32, #tpu.memory_space<vmem>>)
        %run_scoped3A = arith.constant 30 : i32
        "tpu.region"() ({
          %run_scoped3A_65 = tpu.sem_alloc : memref<!tpu.dma_semaphore, #tpu.memory_space<semaphore_mem>>
          %dma_start3A_66 = arith.constant 0 : i32
          %dma_start3A_67 = tpu.memref_slice %arg10[%run_scoped3A, %dma_start3A_66] : memref<32x128xi32, #tpu.memory_space<vmem>> -> memref<1x128xi32, #tpu.memory_space<vmem>>
          %dma_start3A_68 = tpu.memref_squeeze %dma_start3A_67 : memref<1x128xi32, #tpu.memory_space<vmem>> -> memref<128xi32, #tpu.memory_space<vmem>>
          %dma_start3A_69 = arith.constant 0 : i32
          %dma_start3A_70 = arith.constant 0 : i32
          %dma_start3A_71 = tpu.memref_slice %arg8[%dma_start3A_69, %dma_start3A_70] : memref<10008x128xf32, #tpu.memory_space<vmem_shared>> -> memref<10008x128xf32, #tpu.memory_space<vmem_shared>>
          tpu.enqueue_indirect_dma source(%arg11 : memref<128x128xf32, #tpu.memory_space<vmem>>) target(%dma_start3A_71 : memref<10008x128xf32, #tpu.memory_space<vmem_shared>>) offsets(%dma_start3A_68 : memref<128xi32, #tpu.memory_space<vmem>>) semaphore(%run_scoped3A_65 : memref<!tpu.dma_semaphore, #tpu.memory_space<semaphore_mem>>) {add = true}
          %dma_wait3A_72 = arith.constant 0 : i32
          %dma_wait3A_73 = tpu.memref_slice %arg10[%run_scoped3A, %dma_wait3A_72] : memref<32x128xi32, #tpu.memory_space<vmem>> -> memref<1x128xi32, #tpu.memory_space<vmem>>
          %dma_wait3A_74 = tpu.memref_squeeze %dma_wait3A_73 : memref<1x128xi32, #tpu.memory_space<vmem>> -> memref<128xi32, #tpu.memory_space<vmem>>
          %dma_wait3A_75 = arith.constant 0 : i32
          %dma_wait3A_76 = arith.constant 0 : i32
          %dma_wait3A_77 = tpu.memref_slice %arg8[%dma_wait3A_75, %dma_wait3A_76] : memref<10008x128xf32, #tpu.memory_space<vmem_shared>> -> memref<10008x128xf32, #tpu.memory_space<vmem_shared>>
          tpu.wait_indirect_dma semaphore(%run_scoped3A_65 : memref<!tpu.dma_semaphore, #tpu.memory_space<semaphore_mem>>) src(%arg11 : memref<128x128xf32, #tpu.memory_space<vmem>>) dst(%dma_wait3A_77 : memref<10008x128xf32, #tpu.memory_space<vmem_shared>>)
          tpu.yield
        }) : () -> ()
        %dma_wait3A_57 = arith.constant 31 : i32
        %dma_wait3A_58 = arith.constant 0 : i32
        %dma_wait3A_59 = tpu.memref_slice %arg9[%dma_wait3A_57, %dma_wait3A_58] : memref<32x128xi32, #tpu.memory_space<vmem>> -> memref<1x128xi32, #tpu.memory_space<vmem>>
        %dma_wait3A_60 = tpu.memref_squeeze %dma_wait3A_59 : memref<1x128xi32, #tpu.memory_space<vmem>> -> memref<128xi32, #tpu.memory_space<vmem>>
        %dma_wait3A_61 = arith.constant 0 : i32
        %dma_wait3A_62 = arith.constant 0 : i32
        %dma_wait3A_63 = tpu.memref_slice %arg2[%dma_wait3A_61, %dma_wait3A_62] : memref<10008x128xf32, #tpu.memory_space<hbm>> -> memref<10008x128xf32, #tpu.memory_space<hbm>>
        tpu.wait_indirect_dma semaphore(%arg14 : memref<!tpu.dma_semaphore, #tpu.memory_space<semaphore_mem>>) src(%dma_wait3A_63 : memref<10008x128xf32, #tpu.memory_space<hbm>>) dst(%arg12 : memref<128x128xf32, #tpu.memory_space<vmem>>)
        %run_scoped3A_64 = arith.constant 31 : i32
        "tpu.region"() ({
          %run_scoped3A_65 = tpu.sem_alloc : memref<!tpu.dma_semaphore, #tpu.memory_space<semaphore_mem>>
          %dma_start3A_66 = arith.constant 0 : i32
          %dma_start3A_67 = tpu.memref_slice %arg10[%run_scoped3A_64, %dma_start3A_66] : memref<32x128xi32, #tpu.memory_space<vmem>> -> memref<1x128xi32, #tpu.memory_space<vmem>>
          %dma_start3A_68 = tpu.memref_squeeze %dma_start3A_67 : memref<1x128xi32, #tpu.memory_space<vmem>> -> memref<128xi32, #tpu.memory_space<vmem>>
          %dma_start3A_69 = arith.constant 0 : i32
          %dma_start3A_70 = arith.constant 0 : i32
          %dma_start3A_71 = tpu.memref_slice %arg8[%dma_start3A_69, %dma_start3A_70] : memref<10008x128xf32, #tpu.memory_space<vmem_shared>> -> memref<10008x128xf32, #tpu.memory_space<vmem_shared>>
          tpu.enqueue_indirect_dma source(%arg12 : memref<128x128xf32, #tpu.memory_space<vmem>>) target(%dma_start3A_71 : memref<10008x128xf32, #tpu.memory_space<vmem_shared>>) offsets(%dma_start3A_68 : memref<128xi32, #tpu.memory_space<vmem>>) semaphore(%run_scoped3A_65 : memref<!tpu.dma_semaphore, #tpu.memory_space<semaphore_mem>>) {add = true}
          %dma_wait3A_72 = arith.constant 0 : i32
          %dma_wait3A_73 = tpu.memref_slice %arg10[%run_scoped3A_64, %dma_wait3A_72] : memref<32x128xi32, #tpu.memory_space<vmem>> -> memref<1x128xi32, #tpu.memory_space<vmem>>
          %dma_wait3A_74 = tpu.memref_squeeze %dma_wait3A_73 : memref<1x128xi32, #tpu.memory_space<vmem>> -> memref<128xi32, #tpu.memory_space<vmem>>
          %dma_wait3A_75 = arith.constant 0 : i32
          %dma_wait3A_76 = arith.constant 0 : i32
          %dma_wait3A_77 = tpu.memref_slice %arg8[%dma_wait3A_75, %dma_wait3A_76] : memref<10008x128xf32, #tpu.memory_space<vmem_shared>> -> memref<10008x128xf32, #tpu.memory_space<vmem_shared>>
          tpu.wait_indirect_dma semaphore(%run_scoped3A_65 : memref<!tpu.dma_semaphore, #tpu.memory_space<semaphore_mem>>) src(%arg12 : memref<128x128xf32, #tpu.memory_space<vmem>>) dst(%dma_wait3A_77 : memref<10008x128xf32, #tpu.memory_space<vmem_shared>>)
          tpu.yield
        }) : () -> ()
      }
      %scan3A_28 = arith.constant 3 : i32
    } else {
    }
    %barrier3A_15 = arith.constant 0 : index
    tpu.barrier barrier_id(%barrier3A_15)
    %mul3A_16 = arith.constant 624 : i32
    %mul3A_17 = arith.muli %arg1, %mul3A_16 : i32
    %mul3A_18 = arith.constant 624 : i32
    %mul3A_19 = arith.muli %arg1, %mul3A_18 : i32
    "tpu.region"() ({
      %run_scoped3A = tpu.sem_alloc : memref<!tpu.dma_semaphore, #tpu.memory_space<semaphore_mem>>
      %dma_start3A = arith.constant 0 : i32
      %dma_start3A_25 = tpu.memref_slice %arg7[%arg0, %mul3A_19, %dma_start3A] : memref<2x10000x128xf32, #tpu.memory_space<hbm>> -> memref<1x624x128xf32, #tpu.memory_space<hbm>>
      %dma_start3A_26 = tpu.memref_squeeze %dma_start3A_25 : memref<1x624x128xf32, #tpu.memory_space<hbm>> -> memref<624x128xf32, #tpu.memory_space<hbm>>
      %dma_start3A_27 = arith.constant 0 : i32
      %dma_start3A_28 = tpu.memref_slice %arg8[%mul3A_17, %dma_start3A_27] : memref<10008x128xf32, #tpu.memory_space<vmem_shared>> -> memref<624x128xf32, #tpu.memory_space<vmem_shared>>
      tpu.enqueue_dma source(%dma_start3A_28 : memref<624x128xf32, #tpu.memory_space<vmem_shared>>) target(%dma_start3A_26 : memref<624x128xf32, #tpu.memory_space<hbm>>) target_semaphore(%run_scoped3A : memref<!tpu.dma_semaphore, #tpu.memory_space<semaphore_mem>>)
      %dma_wait3A = arith.constant 0 : i32
      %dma_wait3A_29 = tpu.memref_slice %arg7[%arg0, %mul3A_19, %dma_wait3A] : memref<2x10000x128xf32, #tpu.memory_space<hbm>> -> memref<1x624x128xf32, #tpu.memory_space<hbm>>
      %dma_wait3A_30 = tpu.memref_squeeze %dma_wait3A_29 : memref<1x624x128xf32, #tpu.memory_space<hbm>> -> memref<624x128xf32, #tpu.memory_space<hbm>>
      %dma_wait3A_31 = arith.constant 0 : i32
      %dma_wait3A_32 = tpu.memref_slice %arg8[%mul3A_17, %dma_wait3A_31] : memref<10008x128xf32, #tpu.memory_space<vmem_shared>> -> memref<624x128xf32, #tpu.memory_space<vmem_shared>>
      tpu.wait_dma2 semaphore(%run_scoped3A : memref<!tpu.dma_semaphore, #tpu.memory_space<semaphore_mem>>) src(%dma_wait3A_32 : memref<624x128xf32, #tpu.memory_space<vmem_shared>>) dst(%dma_wait3A_30 : memref<624x128xf32, #tpu.memory_space<hbm>>)
      tpu.yield
    }) : () -> ()
    %eq3A_20 = arith.constant 0 : i32
    %eq3A_21 = arith.cmpi eq, %arg1, %eq3A_20 : i32
    %convert_element_type3A_22 = arith.extui %eq3A_21 : i1 to i32
    %cond3A_23 = arith.constant 0 : i32
    %cond3A_24 = arith.cmpi ne, %convert_element_type3A_22, %cond3A_23 : i32
    scf.if %cond3A_24 {
      "tpu.region"() ({
        %run_scoped3A = tpu.sem_alloc : memref<!tpu.dma_semaphore, #tpu.memory_space<semaphore_mem>>
        %dma_start3A = arith.constant 9984 : i32
        %dma_start3A_25 = arith.constant 0 : i32
        %dma_start3A_26 = tpu.memref_slice %arg7[%arg0, %dma_start3A, %dma_start3A_25] : memref<2x10000x128xf32, #tpu.memory_space<hbm>> -> memref<1x16x128xf32, #tpu.memory_space<hbm>>
        %dma_start3A_27 = tpu.memref_squeeze %dma_start3A_26 : memref<1x16x128xf32, #tpu.memory_space<hbm>> -> memref<16x128xf32, #tpu.memory_space<hbm>>
        %dma_start3A_28 = arith.constant 9984 : i32
        %dma_start3A_29 = arith.constant 0 : i32
        %dma_start3A_30 = tpu.memref_slice %arg8[%dma_start3A_28, %dma_start3A_29] : memref<10008x128xf32, #tpu.memory_space<vmem_shared>> -> memref<16x128xf32, #tpu.memory_space<vmem_shared>>
        tpu.enqueue_dma source(%dma_start3A_30 : memref<16x128xf32, #tpu.memory_space<vmem_shared>>) target(%dma_start3A_27 : memref<16x128xf32, #tpu.memory_space<hbm>>) target_semaphore(%run_scoped3A : memref<!tpu.dma_semaphore, #tpu.memory_space<semaphore_mem>>)
        %dma_wait3A = arith.constant 9984 : i32
        %dma_wait3A_31 = arith.constant 0 : i32
        %dma_wait3A_32 = tpu.memref_slice %arg7[%arg0, %dma_wait3A, %dma_wait3A_31] : memref<2x10000x128xf32, #tpu.memory_space<hbm>> -> memref<1x16x128xf32, #tpu.memory_space<hbm>>
        %dma_wait3A_33 = tpu.memref_squeeze %dma_wait3A_32 : memref<1x16x128xf32, #tpu.memory_space<hbm>> -> memref<16x128xf32, #tpu.memory_space<hbm>>
        %dma_wait3A_34 = arith.constant 9984 : i32
        %dma_wait3A_35 = arith.constant 0 : i32
        %dma_wait3A_36 = tpu.memref_slice %arg8[%dma_wait3A_34, %dma_wait3A_35] : memref<10008x128xf32, #tpu.memory_space<vmem_shared>> -> memref<16x128xf32, #tpu.memory_space<vmem_shared>>
        tpu.wait_dma2 semaphore(%run_scoped3A : memref<!tpu.dma_semaphore, #tpu.memory_space<semaphore_mem>>) src(%dma_wait3A_36 : memref<16x128xf32, #tpu.memory_space<vmem_shared>>) dst(%dma_wait3A_33 : memref<16x128xf32, #tpu.memory_space<hbm>>)
        tpu.yield
      }) : () -> ()
    } else {
    }
    return
  }
}

module attributes {stable_mosaic.version = 14 : i64} {
  func.func @_mlp_body(%arg0: memref<10000x128xf32, #tpu.memory_space<vmem>>, %arg1: memref<2x10000x128xf32, #tpu.memory_space<vmem>>, %arg2: memref<128x128xf32, #tpu.memory_space<vmem>>, %arg3: memref<1x128xf32, #tpu.memory_space<vmem>>, %arg4: memref<1x128xf32, #tpu.memory_space<vmem>>, %arg5: memref<1x128xf32, #tpu.memory_space<vmem>>, %arg6: memref<128x128xf32, #tpu.memory_space<vmem>>, %arg7: memref<1x128xf32, #tpu.memory_space<vmem>>, %arg8: memref<128x128xf32, #tpu.memory_space<vmem>>, %arg9: memref<1x128xf32, #tpu.memory_space<vmem>>, %arg10: memref<10000x128xf32, #tpu.memory_space<vmem>>) attributes {dimension_semantics = [], scalar_prefetch = 0 : i64, scratch_operands = 0 : i64, tpu.core_type = #tpu.core_type<tc>} {
    %get3A = arith.constant 0 : index
    %get3A_0 = arith.constant 0 : index
    %get3A_1 = arith.constant 0 : index
    %get3A_2 = vector.load %arg1[%get3A, %get3A_0, %get3A_1] : memref<2x10000x128xf32, #tpu.memory_space<vmem>>, vector<1x10000x128xf32>
    %get3A_3 = vector.shape_cast %get3A_2 : vector<1x10000x128xf32> to vector<10000x128xf32>
    %get3A_4 = arith.constant 1 : index
    %get3A_5 = arith.constant 0 : index
    %get3A_6 = arith.constant 0 : index
    %get3A_7 = vector.load %arg1[%get3A_4, %get3A_5, %get3A_6] : memref<2x10000x128xf32, #tpu.memory_space<vmem>>, vector<1x10000x128xf32>
    %get3A_8 = vector.shape_cast %get3A_7 : vector<1x10000x128xf32> to vector<10000x128xf32>
    %add3A = arith.addf %get3A_3, %get3A_8 : vector<10000x128xf32>
    %get3A_9 = arith.constant 0 : index
    %get3A_10 = arith.constant 0 : index
    %get3A_11 = vector.load %arg0[%get3A_9, %get3A_10] : memref<10000x128xf32, #tpu.memory_space<vmem>>, vector<10000x128xf32>
    %sub3A = arith.subf %add3A, %get3A_11 : vector<10000x128xf32>
    %get3A_12 = arith.constant 0 : index
    %get3A_13 = arith.constant 0 : index
    %get3A_14 = vector.load %arg2[%get3A_12, %get3A_13] : memref<128x128xf32, #tpu.memory_space<vmem>>, vector<128x128xf32>
    %dot_general3A = arith.constant dense<0.000000e+00> : vector<10000x128xf32>
    %dot_general3A_15 = tpu.matmul %sub3A, %get3A_14, %dot_general3A {dimension_numbers = #tpu.dot_dimension_numbers<[1], [0], [0], [1], [0, 0, 1, 1], [], []>, transpose_lhs_hint = false} : vector<10000x128xf32>, vector<128x128xf32>, vector<10000x128xf32> -> vector<10000x128xf32>
    %get3A_16 = arith.constant 0 : index
    %get3A_17 = arith.constant 0 : index
    %get3A_18 = vector.load %arg3[%get3A_16, %get3A_17] : memref<1x128xf32, #tpu.memory_space<vmem>>, vector<1x128xf32>
    %add3A_19 = vector.broadcast %get3A_18 : vector<1x128xf32> to vector<10000x128xf32>
    %add3A_20 = arith.addf %dot_general3A_15, %add3A_19 : vector<10000x128xf32>
    %reduce_sum3A = arith.constant dense<0.000000e+00> : vector<128xf32>
    %reduce_sum3A_21 = vector.multi_reduction <add>, %add3A_20, %reduce_sum3A [0] : vector<10000x128xf32> to vector<128xf32>
    %broadcast_in_dim3A = vector.shape_cast %reduce_sum3A_21 : vector<128xf32> to vector<1x128xf32>
    %div3A = arith.constant 1.000000e+04 : f32
    %div3A_22 = vector.broadcast %div3A : f32 to vector<1x128xf32>
    %div3A_23 = arith.divf %broadcast_in_dim3A, %div3A_22 : vector<1x128xf32>
    %sub3A_24 = vector.broadcast %div3A_23 : vector<1x128xf32> to vector<10000x128xf32>
    %sub3A_25 = arith.subf %add3A_20, %sub3A_24 : vector<10000x128xf32>
    %square3A = arith.mulf %sub3A_25, %sub3A_25 : vector<10000x128xf32>
    %reduce_sum3A_26 = arith.constant dense<0.000000e+00> : vector<128xf32>
    %reduce_sum3A_27 = vector.multi_reduction <add>, %square3A, %reduce_sum3A_26 [0] : vector<10000x128xf32> to vector<128xf32>
    %broadcast_in_dim3A_28 = vector.shape_cast %reduce_sum3A_27 : vector<128xf32> to vector<1x128xf32>
    %div3A_29 = arith.constant 1.000000e+04 : f32
    %div3A_30 = vector.broadcast %div3A_29 : f32 to vector<1x128xf32>
    %div3A_31 = arith.divf %broadcast_in_dim3A_28, %div3A_30 : vector<1x128xf32>
    %sub3A_32 = vector.broadcast %div3A_23 : vector<1x128xf32> to vector<10000x128xf32>
    %sub3A_33 = arith.subf %add3A_20, %sub3A_32 : vector<10000x128xf32>
    %add3A_34 = arith.constant 9.99999974E-6 : f32
    %add3A_35 = vector.broadcast %add3A_34 : f32 to vector<1x128xf32>
    %add3A_36 = arith.addf %div3A_31, %add3A_35 : vector<1x128xf32>
    %sqrt3A = math.sqrt %add3A_36 : vector<1x128xf32>
    %div3A_37 = vector.broadcast %sqrt3A : vector<1x128xf32> to vector<10000x128xf32>
    %div3A_38 = arith.divf %sub3A_33, %div3A_37 : vector<10000x128xf32>
    %get3A_39 = arith.constant 0 : index
    %get3A_40 = arith.constant 0 : index
    %get3A_41 = vector.load %arg4[%get3A_39, %get3A_40] : memref<1x128xf32, #tpu.memory_space<vmem>>, vector<1x128xf32>
    %mul3A = vector.broadcast %get3A_41 : vector<1x128xf32> to vector<10000x128xf32>
    %mul3A_42 = arith.mulf %div3A_38, %mul3A : vector<10000x128xf32>
    %get3A_43 = arith.constant 0 : index
    %get3A_44 = arith.constant 0 : index
    %get3A_45 = vector.load %arg5[%get3A_43, %get3A_44] : memref<1x128xf32, #tpu.memory_space<vmem>>, vector<1x128xf32>
    %add3A_46 = vector.broadcast %get3A_45 : vector<1x128xf32> to vector<10000x128xf32>
    %add3A_47 = arith.addf %mul3A_42, %add3A_46 : vector<10000x128xf32>
    %max3A = arith.constant 0.000000e+00 : f32
    %max3A_48 = vector.broadcast %max3A : f32 to vector<10000x128xf32>
    %max3A_49 = arith.maximumf %add3A_47, %max3A_48 : vector<10000x128xf32>
    %get3A_50 = arith.constant 0 : index
    %get3A_51 = arith.constant 0 : index
    %get3A_52 = vector.load %arg6[%get3A_50, %get3A_51] : memref<128x128xf32, #tpu.memory_space<vmem>>, vector<128x128xf32>
    %dot_general3A_53 = arith.constant dense<0.000000e+00> : vector<10000x128xf32>
    %dot_general3A_54 = tpu.matmul %max3A_49, %get3A_52, %dot_general3A_53 {dimension_numbers = #tpu.dot_dimension_numbers<[1], [0], [0], [1], [0, 0, 1, 1], [], []>, transpose_lhs_hint = false} : vector<10000x128xf32>, vector<128x128xf32>, vector<10000x128xf32> -> vector<10000x128xf32>
    %get3A_55 = arith.constant 0 : index
    %get3A_56 = arith.constant 0 : index
    %get3A_57 = vector.load %arg7[%get3A_55, %get3A_56] : memref<1x128xf32, #tpu.memory_space<vmem>>, vector<1x128xf32>
    %add3A_58 = vector.broadcast %get3A_57 : vector<1x128xf32> to vector<10000x128xf32>
    %add3A_59 = arith.addf %dot_general3A_54, %add3A_58 : vector<10000x128xf32>
    %max3A_60 = arith.constant 0.000000e+00 : f32
    %max3A_61 = vector.broadcast %max3A_60 : f32 to vector<10000x128xf32>
    %max3A_62 = arith.maximumf %add3A_59, %max3A_61 : vector<10000x128xf32>
    %get3A_63 = arith.constant 0 : index
    %get3A_64 = arith.constant 0 : index
    %get3A_65 = vector.load %arg8[%get3A_63, %get3A_64] : memref<128x128xf32, #tpu.memory_space<vmem>>, vector<128x128xf32>
    %dot_general3A_66 = arith.constant dense<0.000000e+00> : vector<10000x128xf32>
    %dot_general3A_67 = tpu.matmul %max3A_62, %get3A_65, %dot_general3A_66 {dimension_numbers = #tpu.dot_dimension_numbers<[1], [0], [0], [1], [0, 0, 1, 1], [], []>, transpose_lhs_hint = false} : vector<10000x128xf32>, vector<128x128xf32>, vector<10000x128xf32> -> vector<10000x128xf32>
    %get3A_68 = arith.constant 0 : index
    %get3A_69 = arith.constant 0 : index
    %get3A_70 = vector.load %arg9[%get3A_68, %get3A_69] : memref<1x128xf32, #tpu.memory_space<vmem>>, vector<1x128xf32>
    %add3A_71 = vector.broadcast %get3A_70 : vector<1x128xf32> to vector<10000x128xf32>
    %add3A_72 = arith.addf %dot_general3A_67, %add3A_71 : vector<10000x128xf32>
    %swap3A = arith.constant 0 : index
    %swap3A_73 = arith.constant 0 : index
    %swap3A_74 = vector.load %arg10[%swap3A, %swap3A_73] : memref<10000x128xf32, #tpu.memory_space<vmem>>, vector<10000x128xf32>
    tpu.vector_store %arg10[%swap3A, %swap3A_73], %add3A_72 {strides = array<i32>} : memref<10000x128xf32, #tpu.memory_space<vmem>>, vector<10000x128xf32>,
    return
  }
}

</mosaic_0001>

<sc_bundles>
// kernel: kernel.4.cloned.1.call-start
scs
__scs_entry_jumppad:
0x0: {  	(pc) =	sbr.rel $0x88, $3  }
0x1: {  	(tag) =	ssettag $0x0;
	lr =	simm.s32 $0x1  }
0x2: {  	[smem:$0x3F97] =	sst lr;
	_ =	strace $0xD0000000  }
0x3: {  	_ = 	snop  }
0x4: {  	_ = 	snop  }
0x5: {  	_ = 	snop  }
0x6: {  	_ = 	snop  }
0x7: {  	_ = 	snop  }
__scs_overlays_trampoline_lowered:
0x8: {  	[smem:$0x3FA6] =	sst s0  }
0x9: {  	[smem:$0x3FA7] =	sst s1  }
0xa: {  	[smem:$0x3FA8] =	sst s2  }
0xb: {  	[smem:$0x3FA9] =	sst s3  }
0xc: {  	[smem:$0x3FAA] =	sst s4  }
0xd: {  	[smem:$0x3FAB] =	sst s5  }
0xe: {  	[smem:$0x3FAC] =	sst s6  }
0xf: {  	[smem:$0x3FAD] =	sst s7  }
0x10: {  	[smem:$0x3FAE] =	sst s8  }
0x11: {  	[smem:$0x3FAF] =	sst s9;
	s0 =	simm.s32 @!p0 $0x0  }
0x12: {  	s1 =	sld [smem:$0x3F95];
	s0 =	simm.s32 @p0 $0x1  }
0x13: {  	[smem:$0x3FB0] =	sst s0;
	s0 =	simm.s32 @!p1 $0x0  }
0x14: {  	s2 =	sld [smem:$0x3F94];
	s0 =	simm.s32 @p1 $0x1  }
0x15: {  	[smem:$0x3FB1] =	sst s0;
	s0 =	simm.s32 @!p2 $0x0  }
0x16: {  	s3 =	sld [smem:$0x3FDB];
	s0 =	simm.s32 @p2 $0x1  }
0x17: {  	s4 =	simm.s32 $0x1BF5;
	[smem:$0x3FB3] =	sst s0  }
0x18: {  	s0 =	sld [smem:$0x3F96];
	_ =	swait.ge [sflag:s4], $0x0  }
0x19: {  	s7 =	sld [smem:$0x3F97]  }
0x1a: {  	s8 =	sadd.s32 $0xFFFFE003, lr  }
0x1b: {  	s9 =	sadd.s32 $0xFFFFFEF7, lr;
	s5 =	simm.s32 $0xFFFFFFFF;
	p2 =	slt.u32 s8, $0xFFFFF086  }
0x1c: {  	p1 =	slt.u32 s9, $0xF7A;
	s5 =	simm.s32 @!p2 $0x0  }
0x1d: {  	s5 =	simm.s32 @p1 $0x1;
	p0 =	seq.s32 s7, s2  }
0x1e: {  	s7 =	smul.u32 @!p0 $0xF7A, s2;
	p2 =	seq.s32 @!p0 s5, $0x0  }
0x1f: {  	s9 =	smul.u32 $0xF7A, s1;
	s8 =	simm.s32 @!p0 $0x1BF5;
	p2 =	por !p2, p0  }
0x20: {  	[sflag:s8] =	ssyncset.s32 @!p0 $0xFFFFF086;
	s6 =	sadd.s32 @!p0 s3, s7;
	s7 =	simm.s32 @!p0 $0x108  }
0x21: {  	s3 =	sadd.s32 s3, s9;
	s6 =	sadd.s32 @!p0 $0x88, s6;
	s7 =	simm.s32 @p2 $0x1082  }
0x22: {  	[simem:s7], [sflag:s8] =	dma.local @!p0 [hbm:s6], $0xF7A  }
0x23: {  	s9 =	sor.u32 $0xD0000000, s2;
	s6 =	simm.s32 $0x108;
	_ =	swait.ge @!p0 [sflag:s8], $0x0  }
0x24: {  	s3 =	sadd.s32 $0x88, s3;
	s6 =	simm.s32 @!p1 $0x1082;
	[sflag:s4] =	ssyncset.s32 $0xFFFFF086  }
0x25: {  	[simem:s6], [sflag:s4] =	dma.local [hbm:s3], $0xF7A  }
0x26: {  	[smem:$0x3F97] =	sst s1;
	(tag) =	ssettag s2;
	_ =	strace s9  }
0x27: {  	s1 =	sld [smem:$0x3FA7]  }
0x28: {  	s2 =	sld [smem:$0x3FA8]  }
0x29: {  	s4 =	sld [smem:$0x3FAA]  }
0x2a: {  	p0 =	seq.s32 s5, $0x0;
	s5 =	sld [smem:$0x3FAB]  }
0x2b: {  	s6 =	sld [smem:$0x3FAC]  }
0x2c: {  	s7 =	sld [smem:$0x3FAD]  }
0x2d: {  	s3 =	simm.s32 $0x108;
	s8 =	sld [smem:$0x3FAE]  }
0x2e: {  	s3 =	simm.s32 @!p0 $0x1082;
	s9 =	sld [smem:$0x3FAF]  }
0x2f: {  	lr =	sadd.s32 s0, s3;
	s0 =	sld [smem:$0x3FA6]  }
0x30: {  	s3 =	sld [smem:$0x3FA9]  }
0x31: {  	[smem:$0x3FB2] =	sst s10  }
0x32: {  	s10 =	sld [smem:$0x3FB0];
	_ =	sdelay $0x3  }
0x33: {  	p0 =	seq.s32 s10, $0x1;
	s10 =	sld [smem:$0x3FB2];
	_ =	sdelay $0x3  }
0x34: {  	[smem:$0x3FB2] =	sst s10  }
0x35: {  	s10 =	sld [smem:$0x3FB1];
	_ =	sdelay $0x3  }
0x36: {  	p1 =	seq.s32 s10, $0x1;
	s10 =	sld [smem:$0x3FB2];
	_ =	sdelay $0x3  }
0x37: {  	[smem:$0x3FB2] =	sst s10  }
0x38: {  	s10 =	sld [smem:$0x3FB3]  }
0x39: {  	_ = 	snop;
	(pc) =	sbr.ind lr, $3  }
0x3a: {  	_ = 	snop  }
0x3b: {  	_ = 	snop  }
0x3c: {  	p2 =	seq.s32 s10, $0x1;
	s10 =	sld [smem:$0x3FB2]  }
0x3d: {  	_ =	shalt  }
0x3e: {  	_ =	shalt  }
0x3f: {  	_ =	shalt  }
0x40: {  	_ =	shalt  }
0x41: {  	_ =	shalt  }
0x42: {  	_ =	shalt  }
0x43: {  	_ =	shalt  }
0x44: {  	_ =	shalt  }
0x45: {  	_ =	shalt  }
0x46: {  	_ =	shalt  }
0x47: {  	_ =	shalt  }
0x48: {  	_ =	shalt  }
0x49: {  	_ =	shalt  }
0x4a: {  	_ =	shalt  }
0x4b: {  	_ =	shalt  }
0x4c: {  	_ =	shalt  }
0x4d: {  	_ =	shalt  }
0x4e: {  	_ =	shalt  }
0x4f: {  	_ =	shalt  }
0x50: {  	_ =	shalt  }
0x51: {  	_ =	shalt  }
0x52: {  	_ =	shalt  }
0x53: {  	_ =	shalt  }
0x54: {  	_ =	shalt  }
0x55: {  	_ =	shalt  }
0x56: {  	_ =	shalt  }
0x57: {  	_ =	shalt  }
0x58: {  	_ =	shalt  }
0x59: {  	_ =	shalt  }
0x5a: {  	_ =	shalt  }
0x5b: {  	_ =	shalt  }
0x5c: {  	_ =	shalt  }
0x5d: {  	_ =	shalt  }
0x5e: {  	_ =	shalt  }
0x5f: {  	_ =	shalt  }
0x60: {  	_ =	shalt  }
0x61: {  	_ =	shalt  }
0x62: {  	_ =	shalt  }
0x63: {  	_ =	shalt  }
0x64: {  	_ =	shalt  }
0x65: {  	_ =	shalt  }
0x66: {  	_ =	shalt  }
0x67: {  	_ =	shalt  }
0x68: {  	_ =	shalt  }
0x69: {  	_ =	shalt  }
0x6a: {  	_ =	shalt  }
0x6b: {  	_ =	shalt  }
0x6c: {  	_ =	shalt  }
0x6d: {  	_ =	shalt  }
0x6e: {  	_ =	shalt  }
0x6f: {  	_ =	shalt  }
0x70: {  	_ =	shalt  }
0x71: {  	_ =	shalt  }
0x72: {  	_ =	shalt  }
0x73: {  	_ =	shalt  }
0x74: {  	_ =	shalt  }
0x75: {  	_ =	shalt  }
0x76: {  	_ =	shalt  }
0x77: {  	_ =	shalt  }
0x78: {  	_ =	shalt  }
0x79: {  	_ =	shalt  }
0x7a: {  	_ =	shalt  }
0x7b: {  	_ =	shalt  }
0x7c: {  	_ =	shalt  }
0x7d: {  	_ =	shalt  }
0x7e: {  	_ =	shalt  }
0x7f: {  	_ =	shalt  }
0x80: {  	_ =	shalt  }
0x81: {  	_ =	shalt  }
0x82: {  	_ =	shalt  }
0x83: {  	_ =	shalt  }
0x84: {  	_ =	shalt  }
0x85: {  	_ =	shalt  }
0x86: {  	_ =	shalt  }
0x87: {  	_ =	shalt  }
.Lfunc_end0:
.L_simem_size_0:
called_computation_lowered:
.L_overlay_start_0:
0x88: {  	s2 =	sld [smem:$0x3FD9]  }
0x89: {  	s3 =	sld [smem:$0x3FFE];
	_ =	sdelay $0x1  }
0x8a: {  	s1 =	srdreg.scid  }
0x8b: {  	s0 =	sand.u32 $0x1, s1  }
0x8c: {  	s17 =	sshll.u32 s0, $0xA;
	s2 =	sadd.s32 s3, s2  }
0x8d: {  	s2 =	sadd.s32 s2, s17  }
0x8e: {  	[smem:$0x3FBE] =	sst s2  }
0x8f: {  	_ = 	snop  }
0x90: {  	s2 =	sld [smem:$0x3FD0];
	(tm) =	ssettm $0x1  }
0x91: {  	s18 =	sld [smem:$0x3FFB];
	_ =	sdelay $0x3  }
0x92: {  	_ =	strace s18  }
0x93: {  	s3 =	sld [smem:$0x3FFC];
	_ =	sdelay $0x3  }
0x94: {  	_ =	strace s3  }
0x95: {  	s3 =	sld [smem:$0x3FFD];
	_ =	sdelay $0x3  }
0x96: {  	_ =	strace s3  }
0x97: {  	_ =	strace $0x8FFFFFFF  }
0x98: {  	s19 =	sld [smem:$0x3FDB];
	_ =	sdelay $0x1  }
0x99: {  	s4 =	simm.s32 $_scs_section_size  }
0x9a: {  	s5 =	simm.s32 $_size__tile_overlayer_lowered;
	s6 =	simm.s32 $_tile_overlayer_lowered  }
0x9b: {  	s22 =	simm.s32 $0x1BFF;
	s21 =	sshll.u32 s6, $0x1;
	s3 =	sadd.s32 s4, s19  }
0x9c: {  	s7 =	simm.s32 $0x0;
	s20 =	sshll.u32 s5, $0x1;
	s5 =	sadd.s32 s21, s3  }
0x9d: {  	[timem:s7], [sflag:s22] =	dma.local [hbm:s5], s20  }
0x9e: {  	_ =	swait.ge [sflag:s22], s20  }
0x9f: {  	s4 =	ssub.s32 $0x0, s20;
	[sflag:s22] =	ssyncset.done $0x0  }
0xa0: {  	[sflag:s22] =	ssyncadd.s32 s4;
	_ =	sdelay $0x1  }
0xa1: {  	s23 =	simm.s32 $0x1B8B  }
0xa2: {  	_ =	swait.ge [sflag:s23], $0x1  }
0xa3: {  	[sflag:s23] =	ssyncset.done $0x0  }
0xa4: {  	s25 =	simm.s32 $0x1B8E;
	s24 =	sld [smem:$0x3FFE];
	[sflag:s23] =	ssyncadd.s32 $0xFFFFFFFF  }
0xa5: {  	s26 =	simm.s32 $execute0_lowered;
	[smem:$0x3FD2] =	sst s25  }
0xa6: {  	s5 =	sshll.u32 s26, $0x1;
	_ =	strace $0x80000046;
	[dreg:$0x1] =	wrdreg $0xFFFFFFFF  }
0xa7: {  	s28 =	simm.s32 $_size_execute0_lowered;
	s3 =	sadd.s32 s3, s5;
	[dreg:$0x0] =	wrdreg $0x0  }
0xa8: {  	s5 =	sshll.u32 s28, $0x1;
	[dreg:$0x2] =	wrdreg s3  }
0xa9: {  	[dreg:$0x3] =	wrdreg s5  }
0xaa: {  	[dreg:$0x4] =	wrdreg $0xC0  }
0xab: {  	_ =	task [dreg:s7], $0x5FFFF  }
0xac: {  	[dreg:$0x1] =	wrdreg $0xFFFFFFFF  }
0xad: {  	[dreg:$0x0] =	wrdreg $0x60  }
0xae: {  	[dreg:$0x2] =	wrdreg s24  }
0xaf: {  	[dreg:$0x3] =	wrdreg s2  }
0xb0: {  	[dreg:$0x4] =	wrdreg $0x0  }
0xb1: {  	[dreg:$0x5] =	wrdreg $0x9  }
0xb2: {  	_ =	task.clear_ibuf [dreg:s7], $0x6FFFF;
	_ =	strace $0x90000046  }
0xb3: {  	s29 =	simm.s32 $0x9;
	_ =	strace $0x80000048  }
0xb4: {  	_ =	swait.ge [sflag:s29], $0x1  }
0xb5: {  	[sflag:s29] =	ssyncadd.s32 $0xFFFFFFFF  }
0xb6: {  	_ =	strace $0x90000048  }
0xb7: {  	_ =	sfence  }
0xb8: {  	s30 =	sld [smem:$0x0];
	_ =	sdelay $0x2  }
0xb9: {  	s31 =	sshll.u32 s1, $0xD;
	s1 =	sshrl.u32 s1, $0x2  }
0xba: {  	s3 =	sand.u32 $0x4000, s31;
	s1 =	sadd.s32 s1, s30  }
0xbb: {  	s0 =	sor.u32 s3, s0;
	s1 =	sshll.u32 s1, $0x11  }
0xbc: {  	s0 =	sor.u32 s1, s0  }
0xbd: {  	s0 =	sadd.s32 $0x8F2B, s0  }
0xbe: {  	[sflag:s0] =	ssyncadd.remote.s32 $0x1  }
0xbf: {  	_ =	sfence.sel $0xFFFF  }
0xc0: {  	[dreg:$0x0] =	wrdreg $0xFFFFFFFF;
	(pc) =	sbr.abs _section_cstart, $3  }
0xc1: {  	[dreg:$0x1] =	wrdreg $0xFFFFFFFF  }
0xc2: {  	_ =	task.clear_ibuf [dreg:s7], $0x2FFFF;
	_ =	strace $0x9FFFFFFF  }
0xc3: {  	(tm) =	ssettm $0x7FFFFFFF  }
tec
execute0_lowered:
.L_overlay_start_1:
0x0: {  	(tag) =	ssettag $0x1  }
0x1: {  	s0 =	rddreg [dreg:$0x0]  }
0x2: {  	s1 =	rddreg [dreg:$0x1]  }
0x3: {  	s2 =	rddreg [dreg:$0x2]  }
0x4: {  	s3 =	simm.s32 $0x0;
	s5 =	srdreg.scid;
	s16 =	stileid.u32  }
0x5: {  	s20 =	simm.s32 $0x138C0;
	s28 =	simm.s32 $0x2;
	s29 =	simm.s32 $0x157C0  }
0x6: {  	s30 =	simm.s32 $0x15840;
	[smem:$0x7FF] =	sst s3;
	s4 =	sadd.s32 $0xEE00, s0  }
0x7: {  	s15 =	sadd.s32 $0x4E00, s0;
	s17 =	sadd.s32 $0xE00, s0;
	s6 =	smul.u32 $0x4E000, s16  }
0x8: {  	s11 =	sand.u32 $0x1, s5;
	s5 =	sadd.s32 $0x8E00, s0;
	s12 =	smul.u32 $0x13800, s16  }
0x9: {  	s13 =	sadd.s32 $0x36000, s0;
	s22 =	sshll.u32 s16, $0x6;
	s9 =	sadd.s32 $0x138000, s2  }
0xa: {  	s10 =	sadd.s32 $0x35E00, s0;
	s25 =	sshll.u32 s16, $0xA;
	p1 =	sne.s32 s16, $0x0  }
0xb: {  	_ =	strace $0x80000047;
	s7 =	ssub.s32 $0x2, s11;
	s18 =	smul.u32 $0x138800, s11  }
0xc: {  	p0 =	seq.s32 s11, $0x1;
	s11 =	smul.u32 $0x3000, s16;
	s26 =	sadd.s32 s15, s25  }
0xd: {  	s31 =	sor.u32 $0x200, s25;
	s8 =	sshrl.u32 s7, $0x1;
	s6 =	sshrl.u32 s6, $0x2  }
0xe: {  	s21 =	sshrl.u32 s12, $0x3;
	[dreg:$0x4] =	wrdreg s26;
	s15 =	sadd.s32 s15, s31  }
0xf: {  	s26 =	simm.s32 $0x1;
	s14 =	ssub.s32 s7, s8;
	s6 =	sadd.s32 s6, s2  }
0x10: {  	s7 =	sadd.s32 s4, s21;
	s8 =	sor.u32 $0x1C03, s22;
	s23 =	sadd.s32 s12, s18  }
0x11: {  	s24 =	sshrl.u32 s18, $0x3;
	s18 =	sadd.s32 s17, s25;
	[dreg:$0x6] =	wrdreg s15  }
.Ltmp0:
0x12: {  	s21 =	simm.s32 $0x148C0;
	s22 =	simm.s32 $0x80;
	(pc) =	sbr.rel .LBB2_1-.Ltmp0, $4  }
0x13: {  	s25 =	simm.s32 $0x198C0;
	s0 =	sshrl.u32 s23, $0x3;
	s19 =	sadd.s32 s13, s24  }
0x14: {  	s14 =	smax.u32 s14, $0x1;
	[dreg:$0x5] =	wrdreg s18;
	s23 =	simm.s32 $0x158C0  }
0x15: {  	s24 =	simm.s32 $0x13940;
	s12 =	sadd.s32 s13, s0;
	s0 =	sadd.s32 s17, s31  }
0x16: {  	s13 =	sadd.s32 $0x27000, s19;
	s19 =	simm.s32 $0x3;
	[dreg:$0x7] =	wrdreg s0  }
.LBB2_10:
0x17: {  	[bflag:$0x0] =	sbarrier.arrive $0xFFFF  }
0x18: {  	[hbm:s12], [sflag:s8] =	dma.local [spmem:s31], $0x2700  }
0x19: {  	_ =	swait.ge [sflag:s19], $0x2700  }
0x1a: {  	s3 =	sadd.s32 $0x1, s3;
	[sflag:s19] =	ssyncset.done $0x0  }
0x1b: {  	p2 =	sne.s32 s3, s14;
	[sflag:s19] =	ssyncadd.s32 $0xFFFFD900  }
0x1c: {  	[hbm:s13], [sflag:s8] =	dma.local @!p1 [spmem:s0], $0x100  }
.Ltmp1:
0x1d: {  	_ = 	snop;
	(pc) =	sbr.rel @!p2 .LBB2_11-.Ltmp1, $4  }
0x1e: {  	s0 =	simm.s32 @!p1 $0x3  }
0x1f: {  	_ =	swait.ge @!p1 [sflag:s0], $0x100  }
0x20: {  	[sflag:s0] =	ssyncset.done @!p1 $0x0  }
0x21: {  	[sflag:s0] =	ssyncadd.s32 @!p1 $0xFFFFFF00  }
.LBB2_1:
0x22: {  	s31 =	sshrl.u32 s6, $0x3  }
0x23: {  	[spmem:s31], [sflag:s8] =	dma.local [hbm:s7], $0x2700  }
0x24: {  	_ =	swait.ge [sflag:s19], $0x2700  }
0x25: {  	[sflag:s19] =	ssyncset.done $0x0  }
0x26: {  	s0 =	sshrl.u32 @!p1 s9, $0x3;
	s15 =	simm.s32 @!p1 $0x3;
	[sflag:s19] =	ssyncadd.s32 $0xFFFFD900  }
0x27: {  	[spmem:s0], [sflag:s8] =	dma.local @!p1 [hbm:s10], $0x180  }
.Ltmp2:
0x28: {  	_ =	swait.ge @!p1 [sflag:s15], $0x180;
	(pc) =	sbr.rel @!p0 .LBB2_2-.Ltmp2, $4  }
0x29: {  	[sflag:s15] =	ssyncset.done @!p1 $0x0  }
0x2a: {  	[sflag:s15] =	ssyncadd.s32 @!p1 $0xFFFFFE80  }
0x2b: {  	[bflag:$0x0] =	sbarrier.arrive $0xFFFF  }
0x2c: {  	s15 =	simm.s32 $0x0  }
.LBB2_7:
0x2d: {  	s16 =	sshll.u32 s15, $0xC  }
0x2e: {  	s16 =	sadd.s32 s11, s16  }
0x2f: {  	s16 =	sshrl.u32 s16, $0x3  }
0x30: {  	s18 =	simm.s32 $0x0;
	s17 =	sadd.s32 s5, s16  }
0x31: {  	[tilespmem:s20], [sflag:$0x3] =	stream.linear.gather [hbm4b:s17+s18], $0x1000, $0x38;
	[tilespmem:$0x1D8C0] =	vst v63  }
0x32: {  	_ =	swait.ge [sflag:s19], $0x1000  }
0x33: {  	[sflag:s19] =	ssyncset.done $0x0  }
0x34: {  	s16 =	sadd.s32 s1, s16;
	[sflag:s19] =	ssyncadd.s32 $0xFFFFF000  }
0x35: {  	[tilespmem:s21], [sflag:$0x3] =	stream.linear.gather [hbm4b:s16+s18], $0x1000, $0x38;
	[tilespmem:$0x1D8C0] =	vst v63  }
0x36: {  	_ =	swait.ge [sflag:s19], $0x1000  }
0x37: {  	[sflag:s19] =	ssyncset.done $0x0  }
0x38: {  	[sflag:s19] =	ssyncadd.s32 $0xFFFFF000  }
0x39: {  	[tilespmem:s23], [sflag:$0x1] =	stream.indirect.gather [hbm4b:s4+s22], $0x80, s20, s22, $0xb8;
	[tilespmem:$0x1D8C0] =	vst v63  }
0x3a: {  	_ = 	snop  }
0x3b: {  	[tilespmem:s25], [sflag:$0x2] =	stream.indirect.gather [hbm4b:s4+s22], $0x80, s24, s22, $0xb8;
	[tilespmem:$0x1D8C0] =	vst v63  }
0x3c: {  	_ =	swait.ge [sflag:s26], $0x4000  }
0x3d: {  	[sflag:s26] =	ssyncset.done $0x0  }
0x3e: {  	s18 =	simm.s32 $0x148C0;
	[sflag:s26] =	ssyncadd.s32 $0xFFFFC000  }
0x3f: {  	[spmem:s2] =	stream.indirect.scatter.add.f32 [tilespmem:s23], [sflag:$0x3], $0x80, s18, s22, $0xb8;
	[tilespmem:$0x1D8C0] =	vst v63  }
0x40: {  	_ =	swait.ge [sflag:s19], $0x4000  }
0x41: {  	[sflag:s19] =	ssyncset.done $0x0  }
0x42: {  	s17 =	simm.s32 $0x139C0;
	[sflag:s19] =	ssyncadd.s32 $0xFFFFC000  }
0x43: {  	[tilespmem:s23], [sflag:$0x1] =	stream.indirect.gather [hbm4b:s4+s22], $0x80, s17, s22, $0xb8;
	[tilespmem:$0x1D8C0] =	vst v63  }
0x44: {  	_ =	swait.ge [sflag:s28], $0x4000  }
0x45: {  	[sflag:s28] =	ssyncset.done $0x0  }
0x46: {  	s18 =	simm.s32 $0x14940;
	[sflag:s28] =	ssyncadd.s32 $0xFFFFC000  }
0x47: {  	[spmem:s2] =	stream.indirect.scatter.add.f32 [tilespmem:s25], [sflag:$0x3], $0x80, s18, s22, $0xb8;
	[tilespmem:$0x1D8C0] =	vst v63  }
0x48: {  	_ =	swait.ge [sflag:s19], $0x4000  }
0x49: {  	[sflag:s19] =	ssyncset.done $0x0  }
0x4a: {  	s16 =	simm.s32 $0x400;
	s17 =	simm.s32 $0x13A40;
	[sflag:s19] =	ssyncadd.s32 $0xFFFFC000  }
.LBB2_8:
0x4b: {  	[tilespmem:s25], [sflag:$0x2] =	stream.indirect.gather [hbm4b:s4+s22], $0x80, s17, s22, $0xb8;
	[tilespmem:$0x1D8C0] =	vst v63  }
0x4c: {  	s17 =	smov.u32 s16  }
0x4d: {  	p2 =	sne.s32 s16, $0x3800;
	s16 =	sadd.s32 $0x400, s16;
	_ =	swait.ge [sflag:s26], $0x4000  }
0x4e: {  	s17 =	sshra.s32 s17, $0x2;
	[sflag:s26] =	ssyncset.done $0x0  }
0x4f: {  	s18 =	sadd.s32 $0x148C0, s17;
	[sflag:s26] =	ssyncadd.s32 $0xFFFFC000  }
0x50: {  	[spmem:s2] =	stream.indirect.scatter.add.f32 [tilespmem:s23], [sflag:$0x3], $0x80, s18, s22, $0xb8;
	[tilespmem:$0x1D8C0] =	vst v63  }
0x51: {  	_ =	swait.ge [sflag:s19], $0x4000  }
0x52: {  	[sflag:s19] =	ssyncset.done $0x0  }
0x53: {  	s18 =	sadd.s32 $0x139C0, s17;
	[sflag:s19] =	ssyncadd.s32 $0xFFFFC000  }
0x54: {  	[tilespmem:s23], [sflag:$0x1] =	stream.indirect.gather [hbm4b:s4+s22], $0x80, s18, s22, $0xb8;
	[tilespmem:$0x1D8C0] =	vst v63  }
0x55: {  	_ =	swait.ge [sflag:s28], $0x4000  }
0x56: {  	[sflag:s28] =	ssyncset.done $0x0  }
.Ltmp3:
0x57: {  	s18 =	sadd.s32 $0x14940, s17;
	[sflag:s28] =	ssyncadd.s32 $0xFFFFC000;
	(pc) =	sbr.rel @p2 .LBB2_8-.Ltmp3, $4  }
0x58: {  	[spmem:s2] =	stream.indirect.scatter.add.f32 [tilespmem:s25], [sflag:$0x3], $0x80, s18, s22, $0xb8;
	[tilespmem:$0x1D8C0] =	vst v63  }
0x59: {  	_ =	swait.ge [sflag:s19], $0x4000  }
0x5a: {  	[sflag:s19] =	ssyncset.done $0x0  }
0x5b: {  	s17 =	sadd.s32 $0x13A40, s17;
	[sflag:s19] =	ssyncadd.s32 $0xFFFFC000  }
0x5c: {  	[tilespmem:s25], [sflag:$0x2] =	stream.indirect.gather [hbm4b:s4+s22], $0x80, s17, s22, $0xb8;
	[tilespmem:$0x1D8C0] =	vst v63  }
0x5d: {  	_ =	swait.ge [sflag:s26], $0x4000  }
0x5e: {  	[sflag:s26] =	ssyncset.done $0x0  }
0x5f: {  	[sflag:s26] =	ssyncadd.s32 $0xFFFFC000  }
0x60: {  	[spmem:s2] =	stream.indirect.scatter.add.f32 [tilespmem:s23], [sflag:$0x3], $0x80, s29, s22, $0xb8;
	[tilespmem:$0x1D8C0] =	vst v63  }
0x61: {  	_ =	swait.ge [sflag:s19], $0x4000  }
0x62: {  	[sflag:s19] =	ssyncset.done $0x0  }
0x63: {  	[sflag:s19] =	ssyncadd.s32 $0xFFFFC000  }
0x64: {  	_ =	swait.ge [sflag:s28], $0x4000  }
0x65: {  	s15 =	sadd.s32 $0x1, s15;
	[sflag:s28] =	ssyncset.done $0x0  }
0x66: {  	p2 =	sne.s32 s15, $0x3;
	[sflag:s28] =	ssyncadd.s32 $0xFFFFC000  }
0x67: {  	[spmem:s2] =	stream.indirect.scatter.add.f32 [tilespmem:s25], [sflag:$0x3], $0x80, s30, s22, $0xb8;
	[tilespmem:$0x1D8C0] =	vst v63  }
.Ltmp4:
0x68: {  	_ = 	snop;
	(pc) =	sbr.rel @p2 .LBB2_7-.Ltmp4, $4  }
.Ltmp5:
0x69: {  	_ = 	snop;
	(pc) =	sbr.rel @!p2 .LBB2_10-.Ltmp5, $4  }
0x6a: {  	_ =	swait.ge [sflag:s19], $0x4000  }
0x6b: {  	[sflag:s19] =	ssyncset.done $0x0  }
0x6c: {  	[sflag:s19] =	ssyncadd.s32 $0xFFFFC000  }
0x6d: {  	_ = 	snop  }
.LBB2_2:
0x6e: {  	s15 =	simm.s32 $0x0;
	s16 =	rddreg [dreg:$0x4]  }
0x6f: {  	[tilespmem:s20], [sflag:$0x3] =	stream.linear.gather [hbm4b:s16+s15], $0x1000, $0x38;
	[tilespmem:$0x1D8C0] =	vst v63  }
0x70: {  	_ =	swait.ge [sflag:s19], $0x1000  }
0x71: {  	[sflag:s19] =	ssyncset.done $0x0  }
0x72: {  	s18 =	rddreg [dreg:$0x5];
	[sflag:s19] =	ssyncadd.s32 $0xFFFFF000  }
0x73: {  	[tilespmem:s21], [sflag:$0x3] =	stream.linear.gather [hbm4b:s18+s15], $0x1000, $0x38;
	[tilespmem:$0x1D8C0] =	vst v63  }
0x74: {  	_ =	swait.ge [sflag:s19], $0x1000  }
0x75: {  	[sflag:s19] =	ssyncset.done $0x0  }
0x76: {  	[sflag:s19] =	ssyncadd.s32 $0xFFFFF000  }
0x77: {  	[tilespmem:s23], [sflag:$0x1] =	stream.indirect.gather [hbm4b:s4+s22], $0x80, s20, s22, $0xb8;
	[tilespmem:$0x1D8C0] =	vst v63  }
0x78: {  	_ = 	snop  }
0x79: {  	[tilespmem:s25], [sflag:$0x2] =	stream.indirect.gather [hbm4b:s4+s22], $0x80, s24, s22, $0xb8;
	[tilespmem:$0x1D8C0] =	vst v63  }
0x7a: {  	_ =	swait.ge [sflag:s26], $0x4000  }
0x7b: {  	[sflag:s26] =	ssyncset.done $0x0  }
0x7c: {  	s16 =	simm.s32 $0x148C0;
	[sflag:s26] =	ssyncadd.s32 $0xFFFFC000  }
0x7d: {  	[spmem:s2] =	stream.indirect.scatter.add.f32 [tilespmem:s23], [sflag:$0x3], $0x80, s16, s22, $0xb8;
	[tilespmem:$0x1D8C0] =	vst v63  }
0x7e: {  	_ =	swait.ge [sflag:s19], $0x4000  }
0x7f: {  	[sflag:s19] =	ssyncset.done $0x0  }
0x80: {  	s17 =	simm.s32 $0x139C0;
	[sflag:s19] =	ssyncadd.s32 $0xFFFFC000  }
0x81: {  	[tilespmem:s23], [sflag:$0x1] =	stream.indirect.gather [hbm4b:s4+s22], $0x80, s17, s22, $0xb8;
	[tilespmem:$0x1D8C0] =	vst v63  }
0x82: {  	_ =	swait.ge [sflag:s28], $0x4000  }
0x83: {  	[sflag:s28] =	ssyncset.done $0x0  }
0x84: {  	s18 =	simm.s32 $0x14940;
	[sflag:s28] =	ssyncadd.s32 $0xFFFFC000  }
0x85: {  	[spmem:s2] =	stream.indirect.scatter.add.f32 [tilespmem:s25], [sflag:$0x3], $0x80, s18, s22, $0xb8;
	[tilespmem:$0x1D8C0] =	vst v63  }
0x86: {  	_ =	swait.ge [sflag:s19], $0x4000  }
0x87: {  	[sflag:s19] =	ssyncset.done $0x0  }
0x88: {  	s15 =	simm.s32 $0x400;
	s16 =	simm.s32 $0x13A40;
	[sflag:s19] =	ssyncadd.s32 $0xFFFFC000  }
.LBB2_3:
0x89: {  	[tilespmem:s25], [sflag:$0x2] =	stream.indirect.gather [hbm4b:s4+s22], $0x80, s16, s22, $0xb8;
	[tilespmem:$0x1D8C0] =	vst v63  }
0x8a: {  	s16 =	smov.u32 s15  }
0x8b: {  	p2 =	sne.s32 s15, $0x3800;
	s15 =	sadd.s32 $0x400, s15;
	_ =	swait.ge [sflag:s26], $0x4000  }
0x8c: {  	s16 =	sshra.s32 s16, $0x2;
	[sflag:s26] =	ssyncset.done $0x0  }
0x8d: {  	s17 =	sadd.s32 $0x148C0, s16;
	[sflag:s26] =	ssyncadd.s32 $0xFFFFC000  }
0x8e: {  	[spmem:s2] =	stream.indirect.scatter.add.f32 [tilespmem:s23], [sflag:$0x3], $0x80, s17, s22, $0xb8;
	[tilespmem:$0x1D8C0] =	vst v63  }
0x8f: {  	_ =	swait.ge [sflag:s19], $0x4000  }
0x90: {  	[sflag:s19] =	ssyncset.done $0x0  }
0x91: {  	s17 =	sadd.s32 $0x139C0, s16;
	[sflag:s19] =	ssyncadd.s32 $0xFFFFC000  }
0x92: {  	[tilespmem:s23], [sflag:$0x1] =	stream.indirect.gather [hbm4b:s4+s22], $0x80, s17, s22, $0xb8;
	[tilespmem:$0x1D8C0] =	vst v63  }
0x93: {  	_ =	swait.ge [sflag:s28], $0x4000  }
0x94: {  	[sflag:s28] =	ssyncset.done $0x0  }
.Ltmp6:
0x95: {  	s17 =	sadd.s32 $0x14940, s16;
	[sflag:s28] =	ssyncadd.s32 $0xFFFFC000;
	(pc) =	sbr.rel @p2 .LBB2_3-.Ltmp6, $4  }
0x96: {  	[spmem:s2] =	stream.indirect.scatter.add.f32 [tilespmem:s25], [sflag:$0x3], $0x80, s17, s22, $0xb8;
	[tilespmem:$0x1D8C0] =	vst v63  }
0x97: {  	_ =	swait.ge [sflag:s19], $0x4000  }
0x98: {  	[sflag:s19] =	ssyncset.done $0x0  }
0x99: {  	s16 =	sadd.s32 $0x13A40, s16;
	[sflag:s19] =	ssyncadd.s32 $0xFFFFC000  }
0x9a: {  	[tilespmem:s25], [sflag:$0x2] =	stream.indirect.gather [hbm4b:s4+s22], $0x80, s16, s22, $0xb8;
	[tilespmem:$0x1D8C0] =	vst v63  }
0x9b: {  	_ =	swait.ge [sflag:s26], $0x4000  }
0x9c: {  	[sflag:s26] =	ssyncset.done $0x0  }
0x9d: {  	[sflag:s26] =	ssyncadd.s32 $0xFFFFC000  }
0x9e: {  	[spmem:s2] =	stream.indirect.scatter.add.f32 [tilespmem:s23], [sflag:$0x3], $0x80, s29, s22, $0xb8;
	[tilespmem:$0x1D8C0] =	vst v63  }
0x9f: {  	_ =	swait.ge [sflag:s19], $0x4000  }
0xa0: {  	[sflag:s19] =	ssyncset.done $0x0  }
0xa1: {  	[sflag:s19] =	ssyncadd.s32 $0xFFFFC000  }
0xa2: {  	_ =	swait.ge [sflag:s28], $0x4000  }
0xa3: {  	[sflag:s28] =	ssyncset.done $0x0  }
0xa4: {  	[sflag:s28] =	ssyncadd.s32 $0xFFFFC000  }
0xa5: {  	[spmem:s2] =	stream.indirect.scatter.add.f32 [tilespmem:s25], [sflag:$0x3], $0x80, s30, s22, $0xb8;
	[tilespmem:$0x1D8C0] =	vst v63  }
0xa6: {  	_ =	swait.ge [sflag:s19], $0x4000  }
0xa7: {  	[sflag:s19] =	ssyncset.done $0x0  }
0xa8: {  	s15 =	simm.s32 $0x0;
	s17 =	rddreg [dreg:$0x6];
	[sflag:s19] =	ssyncadd.s32 $0xFFFFC000  }
0xa9: {  	[tilespmem:s20], [sflag:$0x3] =	stream.linear.gather [hbm4b:s17+s15], $0x1000, $0x38;
	[tilespmem:$0x1D8C0] =	vst v63  }
0xaa: {  	_ =	swait.ge [sflag:s19], $0x1000  }
0xab: {  	[sflag:s19] =	ssyncset.done $0x0  }
0xac: {  	s18 =	rddreg [dreg:$0x7];
	[sflag:s19] =	ssyncadd.s32 $0xFFFFF000  }
0xad: {  	[tilespmem:s21], [sflag:$0x3] =	stream.linear.gather [hbm4b:s18+s15], $0x1000, $0x38;
	[tilespmem:$0x1D8C0] =	vst v63  }
0xae: {  	_ =	swait.ge [sflag:s19], $0x1000  }
0xaf: {  	[sflag:s19] =	ssyncset.done $0x0  }
0xb0: {  	[sflag:s19] =	ssyncadd.s32 $0xFFFFF000  }
0xb1: {  	[tilespmem:s23], [sflag:$0x1] =	stream.indirect.gather [hbm4b:s4+s22], $0x80, s20, s22, $0xb8;
	[tilespmem:$0x1D8C0] =	vst v63  }
0xb2: {  	_ = 	snop  }
0xb3: {  	[tilespmem:s25], [sflag:$0x2] =	stream.indirect.gather [hbm4b:s4+s22], $0x80, s24, s22, $0xb8;
	[tilespmem:$0x1D8C0] =	vst v63  }
0xb4: {  	_ =	swait.ge [sflag:s26], $0x4000  }
0xb5: {  	[sflag:s26] =	ssyncset.done $0x0  }
0xb6: {  	s16 =	simm.s32 $0x148C0;
	[sflag:s26] =	ssyncadd.s32 $0xFFFFC000  }
0xb7: {  	[spmem:s2] =	stream.indirect.scatter.add.f32 [tilespmem:s23], [sflag:$0x3], $0x80, s16, s22, $0xb8;
	[tilespmem:$0x1D8C0] =	vst v63  }
0xb8: {  	_ =	swait.ge [sflag:s19], $0x4000  }
0xb9: {  	[sflag:s19] =	ssyncset.done $0x0  }
0xba: {  	s17 =	simm.s32 $0x139C0;
	[sflag:s19] =	ssyncadd.s32 $0xFFFFC000  }
0xbb: {  	[tilespmem:s23], [sflag:$0x1] =	stream.indirect.gather [hbm4b:s4+s22], $0x80, s17, s22, $0xb8;
	[tilespmem:$0x1D8C0] =	vst v63  }
0xbc: {  	_ =	swait.ge [sflag:s28], $0x4000  }
0xbd: {  	[sflag:s28] =	ssyncset.done $0x0  }
0xbe: {  	s18 =	simm.s32 $0x14940;
	[sflag:s28] =	ssyncadd.s32 $0xFFFFC000  }
0xbf: {  	[spmem:s2] =	stream.indirect.scatter.add.f32 [tilespmem:s25], [sflag:$0x3], $0x80, s18, s22, $0xb8;
	[tilespmem:$0x1D8C0] =	vst v63  }
0xc0: {  	_ =	swait.ge [sflag:s19], $0x4000  }
0xc1: {  	[sflag:s19] =	ssyncset.done $0x0  }
0xc2: {  	s15 =	simm.s32 $0x400;
	s16 =	simm.s32 $0x13A40;
	[sflag:s19] =	ssyncadd.s32 $0xFFFFC000  }
.LBB2_5:
0xc3: {  	[tilespmem:s25], [sflag:$0x2] =	stream.indirect.gather [hbm4b:s4+s22], $0x80, s16, s22, $0xb8;
	[tilespmem:$0x1D8C0] =	vst v63  }
0xc4: {  	s16 =	smov.u32 s15  }
0xc5: {  	p2 =	sne.s32 s15, $0x3800;
	s15 =	sadd.s32 $0x400, s15;
	_ =	swait.ge [sflag:s26], $0x4000  }
0xc6: {  	s16 =	sshra.s32 s16, $0x2;
	[sflag:s26] =	ssyncset.done $0x0  }
0xc7: {  	s17 =	sadd.s32 $0x148C0, s16;
	[sflag:s26] =	ssyncadd.s32 $0xFFFFC000  }
0xc8: {  	[spmem:s2] =	stream.indirect.scatter.add.f32 [tilespmem:s23], [sflag:$0x3], $0x80, s17, s22, $0xb8;
	[tilespmem:$0x1D8C0] =	vst v63  }
0xc9: {  	_ =	swait.ge [sflag:s19], $0x4000  }
0xca: {  	[sflag:s19] =	ssyncset.done $0x0  }
0xcb: {  	s17 =	sadd.s32 $0x139C0, s16;
	[sflag:s19] =	ssyncadd.s32 $0xFFFFC000  }
0xcc: {  	[tilespmem:s23], [sflag:$0x1] =	stream.indirect.gather [hbm4b:s4+s22], $0x80, s17, s22, $0xb8;
	[tilespmem:$0x1D8C0] =	vst v63  }
0xcd: {  	_ =	swait.ge [sflag:s28], $0x4000  }
0xce: {  	[sflag:s28] =	ssyncset.done $0x0  }
.Ltmp7:
0xcf: {  	s17 =	sadd.s32 $0x14940, s16;
	[sflag:s28] =	ssyncadd.s32 $0xFFFFC000;
	(pc) =	sbr.rel @p2 .LBB2_5-.Ltmp7, $4  }
0xd0: {  	[spmem:s2] =	stream.indirect.scatter.add.f32 [tilespmem:s25], [sflag:$0x3], $0x80, s17, s22, $0xb8;
	[tilespmem:$0x1D8C0] =	vst v63  }
0xd1: {  	_ =	swait.ge [sflag:s19], $0x4000  }
0xd2: {  	[sflag:s19] =	ssyncset.done $0x0  }
0xd3: {  	s16 =	sadd.s32 $0x13A40, s16;
	[sflag:s19] =	ssyncadd.s32 $0xFFFFC000  }
0xd4: {  	[tilespmem:s25], [sflag:$0x2] =	stream.indirect.gather [hbm4b:s4+s22], $0x80, s16, s22, $0xb8;
	[tilespmem:$0x1D8C0] =	vst v63  }
0xd5: {  	_ =	swait.ge [sflag:s26], $0x4000  }
0xd6: {  	[sflag:s26] =	ssyncset.done $0x0  }
0xd7: {  	[sflag:s26] =	ssyncadd.s32 $0xFFFFC000  }
0xd8: {  	[spmem:s2] =	stream.indirect.scatter.add.f32 [tilespmem:s23], [sflag:$0x3], $0x80, s29, s22, $0xb8;
	[tilespmem:$0x1D8C0] =	vst v63  }
0xd9: {  	_ =	swait.ge [sflag:s19], $0x4000  }
0xda: {  	[sflag:s19] =	ssyncset.done $0x0  }
0xdb: {  	[sflag:s19] =	ssyncadd.s32 $0xFFFFC000  }
0xdc: {  	_ =	swait.ge [sflag:s28], $0x4000  }
0xdd: {  	[sflag:s28] =	ssyncset.done $0x0  }
.Ltmp8:
0xde: {  	[sflag:s28] =	ssyncadd.s32 $0xFFFFC000;
	(pc) =	sbr.rel .LBB2_10-.Ltmp8, $4  }
0xdf: {  	[spmem:s2] =	stream.indirect.scatter.add.f32 [tilespmem:s25], [sflag:$0x3], $0x80, s30, s22, $0xb8;
	[tilespmem:$0x1D8C0] =	vst v63  }
0xe0: {  	_ =	swait.ge [sflag:s19], $0x4000  }
0xe1: {  	[sflag:s19] =	ssyncset.done $0x0  }
0xe2: {  	[sflag:s19] =	ssyncadd.s32 $0xFFFFC000  }
.LBB2_11:
0xe3: {  	_ =	sfence.sel $0x180000  }
0xe4: {  	[bflag:$0x0] =	sbarrier.arrive $0xFFFF  }
0xe5: {  	_ =	strace $0x90000047  }
0xe6: {  	[bflag:$0x2] =	sbarrier.arrive $0xFFFF  }
0xe7: {  	s0 =	rddreg [dreg:$0x3]  }
0xe8: {  	s0 =	sadd.s32 @!p1 $0x100000, s0  }
0xe9: {  	[sflag:s0] =	ssyncadd.tile.s32 @!p1 $0x1;
	_ =	shalt  }
.Lfunc_end2:
_tile_overlayer_lowered:
.L_overlay_start_2:
0xea: {  	(tag) =	ssettag $0x2  }
0xeb: {  	s0 =	rddreg [dreg:$0x0];
	s2 =	stileid.u32  }
0xec: {  	s1 =	rddreg [dreg:$0x1];
	p0 =	sne.s32 s2, $0x0  }
0xed: {  	s3 =	rddreg [dreg:$0x2];
	[bflag:$0x3] =	sbarrier.arrive $0xFFFF;
	s2 =	simm.s32 @!p0 $0x1C03  }
0xee: {  	[timem:s3], [sflag:s2] =	dma.local @!p0 [hbm:s0], s1  }
0xef: {  	s0 =	simm.s32 @!p0 $0x3  }
0xf0: {  	_ =	swait.ge @!p0 [sflag:s0], s1  }
0xf1: {  	s1 =	ssub.s32 @!p0 $0x0, s1;
	[sflag:s0] =	ssyncset.done @!p0 $0x0  }
0xf2: {  	[sflag:s0] =	ssyncadd.s32 @!p0 s1  }
0xf3: {  	[bflag:$0x3] =	sbarrier.arrive $0xFFFF  }
0xf4: {  	_ =	shalt  }

</sc_bundles>
